<compile_context>
chip_gen: v7x
topology: tpu7x:2x2x1
jax: 0.10.2.dev20260603
libtpu: 0.0.44.dev20260713+nightly
codegen_flags: <defaults>
</compile_context>

<pallas_src>
import functools

import jax
import jax.numpy as jnp
from jax import lax
from jax.experimental import pallas as pl
from jax.experimental.pallas import tpu as pltpu
from jax.experimental.pallas import tpu_sc as plsc

VOCAB = 1000000
CHANNELS = 32
B = 16384
L = 50
NUM_CORES = 2
NUM_SUBCORES = 16
NUM_WORKERS = NUM_CORES * NUM_SUBCORES
TPW = 4
TOK = TPW * 128

_mesh = plsc.VectorSubcoreMesh(core_axis_name="c", subcore_axis_name="s")


@functools.partial(
    pl.kernel,
    mesh=_mesh,
    compiler_params=pltpu.CompilerParams(use_tc_tiling_on_sc=False,
                                         needs_layout_passes=False),
    out_type=jax.ShapeDtypeStruct((L, CHANNELS // 8, B // 128, 8, 128),
                                  jnp.float32),
    scratch_types=[
        pltpu.VMEM((L, TOK), jnp.int32),
        pltpu.VMEM((TOK, CHANNELS), jnp.float32),
        pltpu.VMEM((TOK, CHANNELS), jnp.float32),
        pltpu.VMEM((CHANNELS // 8, TPW, 8, 136), jnp.float32),
        pltpu.VMEM((CHANNELS // 8, TPW, 8, 136), jnp.float32),
        pltpu.SemaphoreType.DMA,
        pltpu.SemaphoreType.DMA,
        pltpu.SemaphoreType.DMA,
        pltpu.SemaphoreType.DMA,
    ],
)
def _embed(xt_hbm, table_hbm, out_hbm, idxb, rows0, rows1, tiles0, tiles1,
           gsem0, gsem1, osem0, osem1):
    w = lax.axis_index("s") * NUM_CORES + lax.axis_index("c")
    iota = lax.iota(jnp.int32, 16)

    pltpu.sync_copy(xt_hbm.at[:, pl.ds(TOK * w, TOK)], idxb)

    def gather_start(l, rows, gsem):
        return pltpu.async_copy(table_hbm.at[idxb.at[l]], rows, gsem)

    def gather_wait(l, rows, gsem):
        pltpu.make_async_copy(table_hbm.at[idxb.at[l]], rows, gsem).wait()

    trv = [(iota + 16 * h) // 8 for h in range(2)]
    sv = [(iota + 16 * h) % 8 for h in range(2)]

    def transpose(rows, tiles):
        @plsc.parallel_loop(0, TOK, unroll=4)
        def _(r):
            tp = r // 128
            lane = r - tp * 128
            tpv = jnp.broadcast_to(tp, (16,)).astype(jnp.int32)
            lanev = jnp.broadcast_to(lane, (16,)).astype(jnp.int32)
            for h in range(2):
                v = rows[r, pl.ds(16 * h, 16)]
                plsc.store_scatter(tiles, [trv[h], tpv, sv[h], lanev], v)

    def out_start(l, tiles, osem):
        return pltpu.async_copy(
            tiles.at[:, :, :, pl.ds(0, 128)],
            out_hbm.at[l, :, pl.ds(TPW * w, TPW)], osem)

    def out_wait(l, tiles, osem):
        pltpu.make_async_copy(
            tiles.at[:, :, :, pl.ds(0, 128)],
            out_hbm.at[l, :, pl.ds(TPW * w, TPW)], osem).wait()

    gather_start(0, rows0, gsem0)

    def pair(i, carry):
        l0 = 2 * i
        l1 = l0 + 1
        gather_wait(l0, rows0, gsem0)
        gather_start(l1, rows1, gsem1)

        @pl.when(i > 0)
        def _():
            out_wait(l0, tiles0, osem0)

        transpose(rows0, tiles0)
        out_start(l0, tiles0, osem0)

        gather_wait(l1, rows1, gsem1)

        @pl.when(i < (L // 2) - 1)
        def _():
            gather_start(l1 + 1, rows0, gsem0)

        @pl.when(i > 0)
        def _():
            out_wait(l1, tiles1, osem1)

        transpose(rows1, tiles1)
        out_start(l1, tiles1, osem1)
        return carry

    lax.fori_loop(0, L // 2, pair, 0)

    out_wait(L - 2, tiles0, osem0)
    out_wait(L - 1, tiles1, osem1)


def kernel(x, table):
    xt = x.T.astype(jnp.int32)
    out5 = _embed(xt, table)
    return jnp.transpose(out5, (2, 4, 0, 1, 3)).reshape(B, L, CHANNELS)

# --- scband reference (transcript-rebuilt; emitter-appended) ---
"""Pipeline reference for scband-token-embedding-23003844837494 (READ-ONLY COPY).

The authoritative reference and input builder live on the scoring server;
editing this copy changes nothing except your own understanding.
"""

import jax, jax.numpy as jnp
import numpy as np

VOCAB = 1000000
CHANNELS = 32
B = 16384
L = 50

def setup_inputs(seed: int = 0) -> dict:
    key = jax.random.key(seed)
    k_idx, k_tab = jax.random.split(key)
    x = jax.random.randint(k_idx, (B, L), 0, VOCAB, dtype=jnp.int64 if jax.config.jax_enable_x64 else jnp.int32)
    table = jax.random.normal(k_tab, (VOCAB, CHANNELS), dtype=jnp.float32)
    return {"x": x, "table": table}

def reference(x, table):
    # Embedding lookup: table[x] -> [B, L, CHANNELS]
    out = jnp.take(table, x, axis=0)
    # Dropout with p=0.0 (eval / zero-prob) is identity
    return out

if __name__ == "__main__":
    import jax
    _d = setup_inputs()
    print(jax.jit(kernel)(*tuple(_d.values())))

</pallas_src>

<mosaic_0001>
#map = affine_map<(d0, d1) -> (0, 0)>
#map1 = affine_map<(d0, d1) -> (0, 0, 0, 0, 0)>
module attributes {stable_mosaic.version = 14 : i64} {
  func.func @_embed(%arg0: i32, %arg1: i32, %arg2: memref<50x16384xi32, #tpu.memory_space<hbm>>, %arg3: memref<1000000x32xf32, #tpu.memory_space<hbm>>, %arg4: memref<50x4x128x8x128xf32, #tpu.memory_space<hbm>>, %arg5: memref<50x512xi32, #tpu.memory_space<vmem>>, %arg6: memref<512x32xf32, #tpu.memory_space<vmem>>, %arg7: memref<512x32xf32, #tpu.memory_space<vmem>>, %arg8: memref<4x4x8x136xf32, #tpu.memory_space<vmem>>, %arg9: memref<4x4x8x136xf32, #tpu.memory_space<vmem>>, %arg10: memref<!tpu.dma_semaphore, #tpu.memory_space<semaphore_mem>>, %arg11: memref<!tpu.dma_semaphore, #tpu.memory_space<semaphore_mem>>, %arg12: memref<!tpu.dma_semaphore, #tpu.memory_space<semaphore_mem>>, %arg13: memref<!tpu.dma_semaphore, #tpu.memory_space<semaphore_mem>>) attributes {dimension_semantics = [#tpu.dimension_semantics<core_parallel>, #tpu.dimension_semantics<subcore_parallel>], iteration_bounds = array<i64: 2, 16>, scalar_prefetch = 0 : i64, scratch_operands = 9 : i64, tpu.core_type = #tpu.core_type<sc_vector_subcore>, window_params = [{transform_indices = #map}, {transform_indices = #map}, {transform_indices = #map1}]} {
    %mul3A = arith.constant 2 : i32
    %mul3A_0 = arith.muli %arg1, %mul3A : i32
    %add3A = arith.addi %mul3A_0, %arg0 : i32
    %iota3A = tpu.iota {dimensions = array<i32: 0>} : vector<16xi32>
    %mul3A_1 = arith.constant 512 : i32
    %mul3A_2 = arith.muli %mul3A_1, %add3A : i32
    "tpu.region"() ({
      %run_scoped3A = tpu.sem_alloc : memref<!tpu.dma_semaphore, #tpu.memory_space<semaphore_mem>>
      %dma_start3A_167 = arith.constant 0 : i32
      %dma_start3A_168 = tpu.memref_slice %arg2[%dma_start3A_167, %mul3A_2] : memref<50x16384xi32, #tpu.memory_space<hbm>> -> memref<50x512xi32, #tpu.memory_space<hbm>>
      %dma_start3A_169 = arith.constant 0 : i32
      %dma_start3A_170 = tpu.memref_slice %arg2[%dma_start3A_169, %mul3A_2] : memref<50x16384xi32, #tpu.memory_space<hbm>> -> memref<50x512xi32, #tpu.memory_space<hbm>>
      tpu.enqueue_dma source(%dma_start3A_170 : memref<50x512xi32, #tpu.memory_space<hbm>>) target(%arg5 : memref<50x512xi32, #tpu.memory_space<vmem>>) target_semaphore(%run_scoped3A : memref<!tpu.dma_semaphore, #tpu.memory_space<semaphore_mem>>)
      %dma_wait3A_171 = arith.constant 0 : i32
      %dma_wait3A_172 = tpu.memref_slice %arg2[%dma_wait3A_171, %mul3A_2] : memref<50x16384xi32, #tpu.memory_space<hbm>> -> memref<50x512xi32, #tpu.memory_space<hbm>>
      %dma_wait3A_173 = arith.constant 0 : i32
      %dma_wait3A_174 = tpu.memref_slice %arg2[%dma_wait3A_173, %mul3A_2] : memref<50x16384xi32, #tpu.memory_space<hbm>> -> memref<50x512xi32, #tpu.memory_space<hbm>>
      tpu.wait_dma2 semaphore(%run_scoped3A : memref<!tpu.dma_semaphore, #tpu.memory_space<semaphore_mem>>) src(%dma_wait3A_174 : memref<50x512xi32, #tpu.memory_space<hbm>>) dst(%arg5 : memref<50x512xi32, #tpu.memory_space<vmem>>)
      tpu.yield
    }) : () -> ()
    %add3A_3 = arith.constant 0 : i32
    %add3A_4 = vector.broadcast %add3A_3 : i32 to vector<16xi32>
    %add3A_5 = arith.addi %iota3A, %add3A_4 : vector<16xi32>
    %jit3A = arith.constant 8 : i32
    %div3A = vector.broadcast %jit3A : i32 to vector<16xi32>
    %div3A_6 = arith.divsi %add3A_5, %div3A : vector<16xi32>
    %sign3A = arith.constant 0 : i32
    %sign3A_7 = vector.broadcast %sign3A : i32 to vector<16xi32>
    %sign3A_8 = arith.cmpi sgt, %add3A_5, %sign3A_7 : vector<16xi32>
    %sign3A_9 = arith.extui %sign3A_8 : vector<16xi1> to vector<16xi32>
    %sign3A_10 = arith.constant 0 : i32
    %sign3A_11 = vector.broadcast %sign3A_10 : i32 to vector<16xi32>
    %sign3A_12 = arith.cmpi slt, %add3A_5, %sign3A_11 : vector<16xi32>
    %sign3A_13 = arith.extui %sign3A_12 : vector<16xi1> to vector<16xi32>
    %sign3A_14 = arith.subi %sign3A_9, %sign3A_13 : vector<16xi32>
    %sign3A_15 = arith.constant 0 : i32
    %sign3A_16 = arith.cmpi sgt, %jit3A, %sign3A_15 : i32
    %sign3A_17 = arith.extui %sign3A_16 : i1 to i32
    %sign3A_18 = arith.constant 0 : i32
    %sign3A_19 = arith.cmpi slt, %jit3A, %sign3A_18 : i32
    %sign3A_20 = arith.extui %sign3A_19 : i1 to i32
    %sign3A_21 = arith.subi %sign3A_17, %sign3A_20 : i32
    %ne3A = vector.broadcast %sign3A_21 : i32 to vector<16xi32>
    %ne3A_22 = arith.cmpi ne, %sign3A_14, %ne3A : vector<16xi32>
    %rem3A = vector.broadcast %jit3A : i32 to vector<16xi32>
    %rem3A_23 = arith.remsi %add3A_5, %rem3A : vector<16xi32>
    %ne3A_24 = arith.constant 0 : i32
    %ne3A_25 = vector.broadcast %ne3A_24 : i32 to vector<16xi32>
    %ne3A_26 = arith.cmpi ne, %rem3A_23, %ne3A_25 : vector<16xi32>
    %and3A = arith.andi %ne3A_22, %ne3A_26 : vector<16xi1>
    %sub3A = arith.constant 1 : i32
    %sub3A_27 = vector.broadcast %sub3A : i32 to vector<16xi32>
    %sub3A_28 = arith.subi %div3A_6, %sub3A_27 : vector<16xi32>
    %select_n3A = arith.select %and3A, %sub3A_28, %div3A_6 : vector<16xi1>, vector<16xi32>
    %add3A_29 = arith.constant 16 : i32
    %add3A_30 = vector.broadcast %add3A_29 : i32 to vector<16xi32>
    %add3A_31 = arith.addi %iota3A, %add3A_30 : vector<16xi32>
    %jit3A_32 = arith.constant 8 : i32
    %div3A_33 = vector.broadcast %jit3A_32 : i32 to vector<16xi32>
    %div3A_34 = arith.divsi %add3A_31, %div3A_33 : vector<16xi32>
    %sign3A_35 = arith.constant 0 : i32
    %sign3A_36 = vector.broadcast %sign3A_35 : i32 to vector<16xi32>
    %sign3A_37 = arith.cmpi sgt, %add3A_31, %sign3A_36 : vector<16xi32>
    %sign3A_38 = arith.extui %sign3A_37 : vector<16xi1> to vector<16xi32>
    %sign3A_39 = arith.constant 0 : i32
    %sign3A_40 = vector.broadcast %sign3A_39 : i32 to vector<16xi32>
    %sign3A_41 = arith.cmpi slt, %add3A_31, %sign3A_40 : vector<16xi32>
    %sign3A_42 = arith.extui %sign3A_41 : vector<16xi1> to vector<16xi32>
    %sign3A_43 = arith.subi %sign3A_38, %sign3A_42 : vector<16xi32>
    %sign3A_44 = arith.constant 0 : i32
    %sign3A_45 = arith.cmpi sgt, %jit3A_32, %sign3A_44 : i32
    %sign3A_46 = arith.extui %sign3A_45 : i1 to i32
    %sign3A_47 = arith.constant 0 : i32
    %sign3A_48 = arith.cmpi slt, %jit3A_32, %sign3A_47 : i32
    %sign3A_49 = arith.extui %sign3A_48 : i1 to i32
    %sign3A_50 = arith.subi %sign3A_46, %sign3A_49 : i32
    %ne3A_51 = vector.broadcast %sign3A_50 : i32 to vector<16xi32>
    %ne3A_52 = arith.cmpi ne, %sign3A_43, %ne3A_51 : vector<16xi32>
    %rem3A_53 = vector.broadcast %jit3A_32 : i32 to vector<16xi32>
    %rem3A_54 = arith.remsi %add3A_31, %rem3A_53 : vector<16xi32>
    %ne3A_55 = arith.constant 0 : i32
    %ne3A_56 = vector.broadcast %ne3A_55 : i32 to vector<16xi32>
    %ne3A_57 = arith.cmpi ne, %rem3A_54, %ne3A_56 : vector<16xi32>
    %and3A_58 = arith.andi %ne3A_52, %ne3A_57 : vector<16xi1>
    %sub3A_59 = arith.constant 1 : i32
    %sub3A_60 = vector.broadcast %sub3A_59 : i32 to vector<16xi32>
    %sub3A_61 = arith.subi %div3A_34, %sub3A_60 : vector<16xi32>
    %select_n3A_62 = arith.select %and3A_58, %sub3A_61, %div3A_34 : vector<16xi1>, vector<16xi32>
    %add3A_63 = arith.constant 0 : i32
    %add3A_64 = vector.broadcast %add3A_63 : i32 to vector<16xi32>
    %add3A_65 = arith.addi %iota3A, %add3A_64 : vector<16xi32>
    %jit3A_66 = arith.constant 8 : i32
    %eq3A = arith.constant 0 : i32
    %eq3A_67 = arith.cmpi eq, %jit3A_66, %eq3A : i32
    %jit3A_68 = arith.constant 1 : i32
    %select_n3A_69 = arith.select %eq3A_67, %jit3A_68, %jit3A_66 : i32
    %rem3A_70 = vector.broadcast %select_n3A_69 : i32 to vector<16xi32>
    %rem3A_71 = arith.remsi %add3A_65, %rem3A_70 : vector<16xi32>
    %ne3A_72 = arith.constant 0 : i32
    %ne3A_73 = vector.broadcast %ne3A_72 : i32 to vector<16xi32>
    %ne3A_74 = arith.cmpi ne, %rem3A_71, %ne3A_73 : vector<16xi32>
    %lt3A = arith.constant 0 : i32
    %lt3A_75 = vector.broadcast %lt3A : i32 to vector<16xi32>
    %lt3A_76 = arith.cmpi slt, %rem3A_71, %lt3A_75 : vector<16xi32>
    %lt3A_77 = arith.constant 0 : i32
    %lt3A_78 = arith.cmpi slt, %select_n3A_69, %lt3A_77 : i32
    %ne3A_79 = vector.broadcast %lt3A_78 : i1 to vector<16xi1>
    %ne3A_80 = vector.broadcast %ne3A_79 : vector<16xi1> to vector<16xi1>
    %ne3A_81 = arith.xori %lt3A_76, %ne3A_80 : vector<16xi1>
    %and3A_82 = arith.andi %ne3A_81, %ne3A_74 : vector<16xi1>
    %add3A_83 = vector.broadcast %select_n3A_69 : i32 to vector<16xi32>
    %add3A_84 = arith.addi %rem3A_71, %add3A_83 : vector<16xi32>
    %select_n3A_85 = arith.select %and3A_82, %add3A_84, %rem3A_71 : vector<16xi1>, vector<16xi32>
    %add3A_86 = arith.constant 16 : i32
    %add3A_87 = vector.broadcast %add3A_86 : i32 to vector<16xi32>
    %add3A_88 = arith.addi %iota3A, %add3A_87 : vector<16xi32>
    %jit3A_89 = arith.constant 8 : i32
    %eq3A_90 = arith.constant 0 : i32
    %eq3A_91 = arith.cmpi eq, %jit3A_89, %eq3A_90 : i32
    %jit3A_92 = arith.constant 1 : i32
    %select_n3A_93 = arith.select %eq3A_91, %jit3A_92, %jit3A_89 : i32
    %rem3A_94 = vector.broadcast %select_n3A_93 : i32 to vector<16xi32>
    %rem3A_95 = arith.remsi %add3A_88, %rem3A_94 : vector<16xi32>
    %ne3A_96 = arith.constant 0 : i32
    %ne3A_97 = vector.broadcast %ne3A_96 : i32 to vector<16xi32>
    %ne3A_98 = arith.cmpi ne, %rem3A_95, %ne3A_97 : vector<16xi32>
    %lt3A_99 = arith.constant 0 : i32
    %lt3A_100 = vector.broadcast %lt3A_99 : i32 to vector<16xi32>
    %lt3A_101 = arith.cmpi slt, %rem3A_95, %lt3A_100 : vector<16xi32>
    %lt3A_102 = arith.constant 0 : i32
    %lt3A_103 = arith.cmpi slt, %select_n3A_93, %lt3A_102 : i32
    %ne3A_104 = vector.broadcast %lt3A_103 : i1 to vector<16xi1>
    %ne3A_105 = vector.broadcast %ne3A_104 : vector<16xi1> to vector<16xi1>
    %ne3A_106 = arith.xori %lt3A_101, %ne3A_105 : vector<16xi1>
    %and3A_107 = arith.andi %ne3A_106, %ne3A_98 : vector<16xi1>
    %add3A_108 = vector.broadcast %select_n3A_93 : i32 to vector<16xi32>
    %add3A_109 = arith.addi %rem3A_95, %add3A_108 : vector<16xi32>
    %select_n3A_110 = arith.select %and3A_107, %add3A_109, %rem3A_95 : vector<16xi1>, vector<16xi32>
    %dma_start3A = arith.constant 0 : i32
    %dma_start3A_111 = arith.constant 0 : i32
    %dma_start3A_112 = tpu.memref_slice %arg5[%dma_start3A, %dma_start3A_111] : memref<50x512xi32, #tpu.memory_space<vmem>> -> memref<1x512xi32, #tpu.memory_space<vmem>>
    %dma_start3A_113 = tpu.memref_squeeze %dma_start3A_112 : memref<1x512xi32, #tpu.memory_space<vmem>> -> memref<512xi32, #tpu.memory_space<vmem>>
    %dma_start3A_114 = arith.constant 0 : i32
    %dma_start3A_115 = arith.constant 0 : i32
    %dma_start3A_116 = tpu.memref_slice %arg3[%dma_start3A_114, %dma_start3A_115] : memref<1000000x32xf32, #tpu.memory_space<hbm>> -> memref<1000000x32xf32, #tpu.memory_space<hbm>>
    tpu.enqueue_indirect_dma source(%dma_start3A_116 : memref<1000000x32xf32, #tpu.memory_space<hbm>>) target(%arg6 : memref<512x32xf32, #tpu.memory_space<vmem>>) offsets(%dma_start3A_113 : memref<512xi32, #tpu.memory_space<vmem>>) semaphore(%arg10 : memref<!tpu.dma_semaphore, #tpu.memory_space<semaphore_mem>>)
    %scan3A = arith.constant 0 : i32
    %scan3A_117 = arith.constant 0 : i32
    %scan3A_118 = arith.constant 25 : i32
    %scan3A_119 = arith.addi %scan3A_117, %scan3A_118 : i32
    %scan3A_120 = arith.constant 1 : i32
    scf.for %scan3A_167 = %scan3A_117 to %scan3A_119 step %scan3A_120  : i32 {
      %mul3A_168 = arith.constant 2 : i32
      %mul3A_169 = arith.muli %mul3A_168, %scan3A_167 : i32
      %add3A_170 = arith.constant 1 : i32
      %add3A_171 = arith.addi %mul3A_169, %add3A_170 : i32
      %dma_wait3A_172 = arith.constant 0 : i32
      %dma_wait3A_173 = tpu.memref_slice %arg5[%mul3A_169, %dma_wait3A_172] : memref<50x512xi32, #tpu.memory_space<vmem>> -> memref<1x512xi32, #tpu.memory_space<vmem>>
      %dma_wait3A_174 = tpu.memref_squeeze %dma_wait3A_173 : memref<1x512xi32, #tpu.memory_space<vmem>> -> memref<512xi32, #tpu.memory_space<vmem>>
      %dma_wait3A_175 = arith.constant 0 : i32
      %dma_wait3A_176 = arith.constant 0 : i32
      %dma_wait3A_177 = tpu.memref_slice %arg3[%dma_wait3A_175, %dma_wait3A_176] : memref<1000000x32xf32, #tpu.memory_space<hbm>> -> memref<1000000x32xf32, #tpu.memory_space<hbm>>
      tpu.wait_indirect_dma semaphore(%arg10 : memref<!tpu.dma_semaphore, #tpu.memory_space<semaphore_mem>>) src(%dma_wait3A_177 : memref<1000000x32xf32, #tpu.memory_space<hbm>>) dst(%arg6 : memref<512x32xf32, #tpu.memory_space<vmem>>)
      %dma_start3A_178 = arith.constant 0 : i32
      %dma_start3A_179 = tpu.memref_slice %arg5[%add3A_171, %dma_start3A_178] : memref<50x512xi32, #tpu.memory_space<vmem>> -> memref<1x512xi32, #tpu.memory_space<vmem>>
      %dma_start3A_180 = tpu.memref_squeeze %dma_start3A_179 : memref<1x512xi32, #tpu.memory_space<vmem>> -> memref<512xi32, #tpu.memory_space<vmem>>
      %dma_start3A_181 = arith.constant 0 : i32
      %dma_start3A_182 = arith.constant 0 : i32
      %dma_start3A_183 = tpu.memref_slice %arg3[%dma_start3A_181, %dma_start3A_182] : memref<1000000x32xf32, #tpu.memory_space<hbm>> -> memref<1000000x32xf32, #tpu.memory_space<hbm>>
      tpu.enqueue_indirect_dma source(%dma_start3A_183 : memref<1000000x32xf32, #tpu.memory_space<hbm>>) target(%arg7 : memref<512x32xf32, #tpu.memory_space<vmem>>) offsets(%dma_start3A_180 : memref<512xi32, #tpu.memory_space<vmem>>) semaphore(%arg11 : memref<!tpu.dma_semaphore, #tpu.memory_space<semaphore_mem>>)
      %gt3A = arith.constant 0 : i32
      %gt3A_184 = arith.cmpi sgt, %scan3A_167, %gt3A : i32
      %convert_element_type3A = arith.extui %gt3A_184 : i1 to i32
      %cond3A = arith.constant 0 : i32
      %cond3A_185 = arith.cmpi ne, %convert_element_type3A, %cond3A : i32
      scf.if %cond3A_185 {
        %mul3A_251 = arith.constant 4 : i32
        %mul3A_252 = arith.muli %mul3A_251, %add3A : i32
        %dma_wait3A_253 = arith.constant 0 : i32
        %dma_wait3A_254 = arith.constant 0 : i32
        %dma_wait3A_255 = arith.constant 0 : i32
        %dma_wait3A_256 = arith.constant 0 : i32
        %dma_wait3A_257 = tpu.memref_slice %arg8[%dma_wait3A_253, %dma_wait3A_254, %dma_wait3A_255, %dma_wait3A_256] : memref<4x4x8x136xf32, #tpu.memory_space<vmem>> -> memref<4x4x8x128xf32, #tpu.memory_space<vmem>>
        %dma_wait3A_258 = arith.constant 0 : i32
        %dma_wait3A_259 = arith.constant 0 : i32
        %dma_wait3A_260 = arith.constant 0 : i32
        %dma_wait3A_261 = tpu.memref_slice %arg4[%mul3A_169, %dma_wait3A_258, %mul3A_252, %dma_wait3A_259, %dma_wait3A_260] : memref<50x4x128x8x128xf32, #tpu.memory_space<hbm>> -> memref<1x4x4x8x128xf32, #tpu.memory_space<hbm>>
        %dma_wait3A_262 = tpu.memref_squeeze %dma_wait3A_261 : memref<1x4x4x8x128xf32, #tpu.memory_space<hbm>> -> memref<4x4x8x128xf32, #tpu.memory_space<hbm>>
        %dma_wait3A_263 = arith.constant 0 : i32
        %dma_wait3A_264 = arith.constant 0 : i32
        %dma_wait3A_265 = arith.constant 0 : i32
        %dma_wait3A_266 = tpu.memref_slice %arg4[%mul3A_169, %dma_wait3A_263, %mul3A_252, %dma_wait3A_264, %dma_wait3A_265] : memref<50x4x128x8x128xf32, #tpu.memory_space<hbm>> -> memref<1x4x4x8x128xf32, #tpu.memory_space<hbm>>
        %dma_wait3A_267 = tpu.memref_squeeze %dma_wait3A_266 : memref<1x4x4x8x128xf32, #tpu.memory_space<hbm>> -> memref<4x4x8x128xf32, #tpu.memory_space<hbm>>
        %dma_wait3A_268 = arith.constant 0 : i32
        %dma_wait3A_269 = arith.constant 0 : i32
        %dma_wait3A_270 = arith.constant 0 : i32
        %dma_wait3A_271 = arith.constant 0 : i32
        %dma_wait3A_272 = tpu.memref_slice %arg8[%dma_wait3A_268, %dma_wait3A_269, %dma_wait3A_270, %dma_wait3A_271] : memref<4x4x8x136xf32, #tpu.memory_space<vmem>> -> memref<4x4x8x128xf32, #tpu.memory_space<vmem>>
        tpu.wait_dma2 semaphore(%arg12 : memref<!tpu.dma_semaphore, #tpu.memory_space<semaphore_mem>>) src(%dma_wait3A_272 : memref<4x4x8x128xf32, #tpu.memory_space<vmem>>) dst(%dma_wait3A_267 : memref<4x4x8x128xf32, #tpu.memory_space<hbm>>)
      } else {
      }
      %parallel_loop3A = arith.constant 0 : i32
      %parallel_loop3A_186 = arith.constant 512 : i32
      %parallel_loop3A_187 = arith.constant 1 : i32
      scf.for %parallel_loop3A_251 = %parallel_loop3A to %parallel_loop3A_186 step %parallel_loop3A_187  : i32 {
        %parallel_loop3A_252 = arith.constant 128 : i32
        %parallel_loop3A_253 = arith.divsi %parallel_loop3A_251, %parallel_loop3A_252 : i32
        %parallel_loop3A_254 = arith.constant 0 : i32
        %parallel_loop3A_255 = arith.cmpi sgt, %parallel_loop3A_251, %parallel_loop3A_254 : i32
        %parallel_loop3A_256 = arith.extui %parallel_loop3A_255 : i1 to i32
        %parallel_loop3A_257 = arith.constant 0 : i32
        %parallel_loop3A_258 = arith.cmpi slt, %parallel_loop3A_251, %parallel_loop3A_257 : i32
        %parallel_loop3A_259 = arith.extui %parallel_loop3A_258 : i1 to i32
        %parallel_loop3A_260 = arith.subi %parallel_loop3A_256, %parallel_loop3A_259 : i32
        %parallel_loop3A_261 = arith.constant 0 : i32
        %parallel_loop3A_262 = arith.cmpi sgt, %parallel_loop3A_252, %parallel_loop3A_261 : i32
        %parallel_loop3A_263 = arith.extui %parallel_loop3A_262 : i1 to i32
        %parallel_loop3A_264 = arith.constant 0 : i32
        %parallel_loop3A_265 = arith.cmpi slt, %parallel_loop3A_252, %parallel_loop3A_264 : i32
        %parallel_loop3A_266 = arith.extui %parallel_loop3A_265 : i1 to i32
        %parallel_loop3A_267 = arith.subi %parallel_loop3A_263, %parallel_loop3A_266 : i32
        %parallel_loop3A_268 = arith.cmpi ne, %parallel_loop3A_260, %parallel_loop3A_267 : i32
        %parallel_loop3A_269 = arith.remsi %parallel_loop3A_251, %parallel_loop3A_252 : i32
        %parallel_loop3A_270 = arith.constant 0 : i32
        %parallel_loop3A_271 = arith.cmpi ne, %parallel_loop3A_269, %parallel_loop3A_270 : i32
        %parallel_loop3A_272 = arith.andi %parallel_loop3A_268, %parallel_loop3A_271 : i1
        %parallel_loop3A_273 = arith.constant 1 : i32
        %parallel_loop3A_274 = arith.subi %parallel_loop3A_253, %parallel_loop3A_273 : i32
        %parallel_loop3A_275 = arith.select %parallel_loop3A_272, %parallel_loop3A_274, %parallel_loop3A_253 : i32
        %parallel_loop3A_276 = arith.constant 128 : i32
        %parallel_loop3A_277 = arith.muli %parallel_loop3A_275, %parallel_loop3A_276 : i32
        %parallel_loop3A_278 = arith.subi %parallel_loop3A_251, %parallel_loop3A_277 : i32
        %parallel_loop3A_279 = vector.broadcast %parallel_loop3A_275 : i32 to vector<16xi32>
        %parallel_loop3A_280 = vector.broadcast %parallel_loop3A_278 : i32 to vector<16xi32>
        %parallel_loop3A_281 = arith.index_cast %parallel_loop3A_251 : i32 to index
        %parallel_loop3A_282 = arith.constant 0 : index
        %parallel_loop3A_283 = tpu.vector_load %arg6[%parallel_loop3A_281, %parallel_loop3A_282] {strides = array<i32>} : memref<512x32xf32, #tpu.memory_space<vmem>>, vector<16xf32>,
        tpu.vector_store_idx %arg8[%select_n3A, %parallel_loop3A_279, %select_n3A_85, %parallel_loop3A_280], %parallel_loop3A_283 : memref<4x4x8x136xf32, #tpu.memory_space<vmem>>[vector<16xi32>, vector<16xi32>, vector<16xi32>, vector<16xi32>], vector<16xf32>,
        %parallel_loop3A_284 = arith.index_cast %parallel_loop3A_251 : i32 to index
        %parallel_loop3A_285 = arith.constant 16 : index
        %parallel_loop3A_286 = tpu.vector_load %arg6[%parallel_loop3A_284, %parallel_loop3A_285] {strides = array<i32>} : memref<512x32xf32, #tpu.memory_space<vmem>>, vector<16xf32>,
        tpu.vector_store_idx %arg8[%select_n3A_62, %parallel_loop3A_279, %select_n3A_110, %parallel_loop3A_280], %parallel_loop3A_286 : memref<4x4x8x136xf32, #tpu.memory_space<vmem>>[vector<16xi32>, vector<16xi32>, vector<16xi32>, vector<16xi32>], vector<16xf32>,
      } {sc.loop_unroll_factor = 4 : i64, sc.parallel_access}
      %mul3A_188 = arith.constant 4 : i32
      %mul3A_189 = arith.muli %mul3A_188, %add3A : i32
      %dma_start3A_190 = arith.constant 0 : i32
      %dma_start3A_191 = arith.constant 0 : i32
      %dma_start3A_192 = arith.constant 0 : i32
      %dma_start3A_193 = arith.constant 0 : i32
      %dma_start3A_194 = tpu.memref_slice %arg8[%dma_start3A_190, %dma_start3A_191, %dma_start3A_192, %dma_start3A_193] : memref<4x4x8x136xf32, #tpu.memory_space<vmem>> -> memref<4x4x8x128xf32, #tpu.memory_space<vmem>>
      %dma_start3A_195 = arith.constant 0 : i32
      %dma_start3A_196 = arith.constant 0 : i32
      %dma_start3A_197 = arith.constant 0 : i32
      %dma_start3A_198 = tpu.memref_slice %arg4[%mul3A_169, %dma_start3A_195, %mul3A_189, %dma_start3A_196, %dma_start3A_197] : memref<50x4x128x8x128xf32, #tpu.memory_space<hbm>> -> memref<1x4x4x8x128xf32, #tpu.memory_space<hbm>>
      %dma_start3A_199 = tpu.memref_squeeze %dma_start3A_198 : memref<1x4x4x8x128xf32, #tpu.memory_space<hbm>> -> memref<4x4x8x128xf32, #tpu.memory_space<hbm>>
      %dma_start3A_200 = arith.constant 0 : i32
      %dma_start3A_201 = arith.constant 0 : i32
      %dma_start3A_202 = arith.constant 0 : i32
      %dma_start3A_203 = tpu.memref_slice %arg4[%mul3A_169, %dma_start3A_200, %mul3A_189, %dma_start3A_201, %dma_start3A_202] : memref<50x4x128x8x128xf32, #tpu.memory_space<hbm>> -> memref<1x4x4x8x128xf32, #tpu.memory_space<hbm>>
      %dma_start3A_204 = tpu.memref_squeeze %dma_start3A_203 : memref<1x4x4x8x128xf32, #tpu.memory_space<hbm>> -> memref<4x4x8x128xf32, #tpu.memory_space<hbm>>
      %dma_start3A_205 = arith.constant 0 : i32
      %dma_start3A_206 = arith.constant 0 : i32
      %dma_start3A_207 = arith.constant 0 : i32
      %dma_start3A_208 = arith.constant 0 : i32
      %dma_start3A_209 = tpu.memref_slice %arg8[%dma_start3A_205, %dma_start3A_206, %dma_start3A_207, %dma_start3A_208] : memref<4x4x8x136xf32, #tpu.memory_space<vmem>> -> memref<4x4x8x128xf32, #tpu.memory_space<vmem>>
      tpu.enqueue_dma source(%dma_start3A_209 : memref<4x4x8x128xf32, #tpu.memory_space<vmem>>) target(%dma_start3A_204 : memref<4x4x8x128xf32, #tpu.memory_space<hbm>>) target_semaphore(%arg12 : memref<!tpu.dma_semaphore, #tpu.memory_space<semaphore_mem>>)
      %dma_wait3A_210 = arith.constant 0 : i32
      %dma_wait3A_211 = tpu.memref_slice %arg5[%add3A_171, %dma_wait3A_210] : memref<50x512xi32, #tpu.memory_space<vmem>> -> memref<1x512xi32, #tpu.memory_space<vmem>>
      %dma_wait3A_212 = tpu.memref_squeeze %dma_wait3A_211 : memref<1x512xi32, #tpu.memory_space<vmem>> -> memref<512xi32, #tpu.memory_space<vmem>>
      %dma_wait3A_213 = arith.constant 0 : i32
      %dma_wait3A_214 = arith.constant 0 : i32
      %dma_wait3A_215 = tpu.memref_slice %arg3[%dma_wait3A_213, %dma_wait3A_214] : memref<1000000x32xf32, #tpu.memory_space<hbm>> -> memref<1000000x32xf32, #tpu.memory_space<hbm>>
      tpu.wait_indirect_dma semaphore(%arg11 : memref<!tpu.dma_semaphore, #tpu.memory_space<semaphore_mem>>) src(%dma_wait3A_215 : memref<1000000x32xf32, #tpu.memory_space<hbm>>) dst(%arg7 : memref<512x32xf32, #tpu.memory_space<vmem>>)
      %lt3A_216 = arith.constant 24 : i32
      %lt3A_217 = arith.cmpi slt, %scan3A_167, %lt3A_216 : i32
      %convert_element_type3A_218 = arith.extui %lt3A_217 : i1 to i32
      %cond3A_219 = arith.constant 0 : i32
      %cond3A_220 = arith.cmpi ne, %convert_element_type3A_218, %cond3A_219 : i32
      scf.if %cond3A_220 {
        %add3A_251 = arith.constant 1 : i32
        %add3A_252 = arith.addi %add3A_171, %add3A_251 : i32
        %dma_start3A_253 = arith.constant 0 : i32
        %dma_start3A_254 = tpu.memref_slice %arg5[%add3A_252, %dma_start3A_253] : memref<50x512xi32, #tpu.memory_space<vmem>> -> memref<1x512xi32, #tpu.memory_space<vmem>>
        %dma_start3A_255 = tpu.memref_squeeze %dma_start3A_254 : memref<1x512xi32, #tpu.memory_space<vmem>> -> memref<512xi32, #tpu.memory_space<vmem>>
        %dma_start3A_256 = arith.constant 0 : i32
        %dma_start3A_257 = arith.constant 0 : i32
        %dma_start3A_258 = tpu.memref_slice %arg3[%dma_start3A_256, %dma_start3A_257] : memref<1000000x32xf32, #tpu.memory_space<hbm>> -> memref<1000000x32xf32, #tpu.memory_space<hbm>>
        tpu.enqueue_indirect_dma source(%dma_start3A_258 : memref<1000000x32xf32, #tpu.memory_space<hbm>>) target(%arg6 : memref<512x32xf32, #tpu.memory_space<vmem>>) offsets(%dma_start3A_255 : memref<512xi32, #tpu.memory_space<vmem>>) semaphore(%arg10 : memref<!tpu.dma_semaphore, #tpu.memory_space<semaphore_mem>>)
      } else {
      }
      %gt3A_221 = arith.constant 0 : i32
      %gt3A_222 = arith.cmpi sgt, %scan3A_167, %gt3A_221 : i32
      %convert_element_type3A_223 = arith.extui %gt3A_222 : i1 to i32
      %cond3A_224 = arith.constant 0 : i32
      %cond3A_225 = arith.cmpi ne, %convert_element_type3A_223, %cond3A_224 : i32
      scf.if %cond3A_225 {
        %mul3A_251 = arith.constant 4 : i32
        %mul3A_252 = arith.muli %mul3A_251, %add3A : i32
        %dma_wait3A_253 = arith.constant 0 : i32
        %dma_wait3A_254 = arith.constant 0 : i32
        %dma_wait3A_255 = arith.constant 0 : i32
        %dma_wait3A_256 = arith.constant 0 : i32
        %dma_wait3A_257 = tpu.memref_slice %arg9[%dma_wait3A_253, %dma_wait3A_254, %dma_wait3A_255, %dma_wait3A_256] : memref<4x4x8x136xf32, #tpu.memory_space<vmem>> -> memref<4x4x8x128xf32, #tpu.memory_space<vmem>>
        %dma_wait3A_258 = arith.constant 0 : i32
        %dma_wait3A_259 = arith.constant 0 : i32
        %dma_wait3A_260 = arith.constant 0 : i32
        %dma_wait3A_261 = tpu.memref_slice %arg4[%add3A_171, %dma_wait3A_258, %mul3A_252, %dma_wait3A_259, %dma_wait3A_260] : memref<50x4x128x8x128xf32, #tpu.memory_space<hbm>> -> memref<1x4x4x8x128xf32, #tpu.memory_space<hbm>>
        %dma_wait3A_262 = tpu.memref_squeeze %dma_wait3A_261 : memref<1x4x4x8x128xf32, #tpu.memory_space<hbm>> -> memref<4x4x8x128xf32, #tpu.memory_space<hbm>>
        %dma_wait3A_263 = arith.constant 0 : i32
        %dma_wait3A_264 = arith.constant 0 : i32
        %dma_wait3A_265 = arith.constant 0 : i32
        %dma_wait3A_266 = tpu.memref_slice %arg4[%add3A_171, %dma_wait3A_263, %mul3A_252, %dma_wait3A_264, %dma_wait3A_265] : memref<50x4x128x8x128xf32, #tpu.memory_space<hbm>> -> memref<1x4x4x8x128xf32, #tpu.memory_space<hbm>>
        %dma_wait3A_267 = tpu.memref_squeeze %dma_wait3A_266 : memref<1x4x4x8x128xf32, #tpu.memory_space<hbm>> -> memref<4x4x8x128xf32, #tpu.memory_space<hbm>>
        %dma_wait3A_268 = arith.constant 0 : i32
        %dma_wait3A_269 = arith.constant 0 : i32
        %dma_wait3A_270 = arith.constant 0 : i32
        %dma_wait3A_271 = arith.constant 0 : i32
        %dma_wait3A_272 = tpu.memref_slice %arg9[%dma_wait3A_268, %dma_wait3A_269, %dma_wait3A_270, %dma_wait3A_271] : memref<4x4x8x136xf32, #tpu.memory_space<vmem>> -> memref<4x4x8x128xf32, #tpu.memory_space<vmem>>
        tpu.wait_dma2 semaphore(%arg13 : memref<!tpu.dma_semaphore, #tpu.memory_space<semaphore_mem>>) src(%dma_wait3A_272 : memref<4x4x8x128xf32, #tpu.memory_space<vmem>>) dst(%dma_wait3A_267 : memref<4x4x8x128xf32, #tpu.memory_space<hbm>>)
      } else {
      }
      %parallel_loop3A_226 = arith.constant 0 : i32
      %parallel_loop3A_227 = arith.constant 512 : i32
      %parallel_loop3A_228 = arith.constant 1 : i32
      scf.for %parallel_loop3A_251 = %parallel_loop3A_226 to %parallel_loop3A_227 step %parallel_loop3A_228  : i32 {
        %parallel_loop3A_252 = arith.constant 128 : i32
        %parallel_loop3A_253 = arith.divsi %parallel_loop3A_251, %parallel_loop3A_252 : i32
        %parallel_loop3A_254 = arith.constant 0 : i32
        %parallel_loop3A_255 = arith.cmpi sgt, %parallel_loop3A_251, %parallel_loop3A_254 : i32
        %parallel_loop3A_256 = arith.extui %parallel_loop3A_255 : i1 to i32
        %parallel_loop3A_257 = arith.constant 0 : i32
        %parallel_loop3A_258 = arith.cmpi slt, %parallel_loop3A_251, %parallel_loop3A_257 : i32
        %parallel_loop3A_259 = arith.extui %parallel_loop3A_258 : i1 to i32
        %parallel_loop3A_260 = arith.subi %parallel_loop3A_256, %parallel_loop3A_259 : i32
        %parallel_loop3A_261 = arith.constant 0 : i32
        %parallel_loop3A_262 = arith.cmpi sgt, %parallel_loop3A_252, %parallel_loop3A_261 : i32
        %parallel_loop3A_263 = arith.extui %parallel_loop3A_262 : i1 to i32
        %parallel_loop3A_264 = arith.constant 0 : i32
        %parallel_loop3A_265 = arith.cmpi slt, %parallel_loop3A_252, %parallel_loop3A_264 : i32
        %parallel_loop3A_266 = arith.extui %parallel_loop3A_265 : i1 to i32
        %parallel_loop3A_267 = arith.subi %parallel_loop3A_263, %parallel_loop3A_266 : i32
        %parallel_loop3A_268 = arith.cmpi ne, %parallel_loop3A_260, %parallel_loop3A_267 : i32
        %parallel_loop3A_269 = arith.remsi %parallel_loop3A_251, %parallel_loop3A_252 : i32
        %parallel_loop3A_270 = arith.constant 0 : i32
        %parallel_loop3A_271 = arith.cmpi ne, %parallel_loop3A_269, %parallel_loop3A_270 : i32
        %parallel_loop3A_272 = arith.andi %parallel_loop3A_268, %parallel_loop3A_271 : i1
        %parallel_loop3A_273 = arith.constant 1 : i32
        %parallel_loop3A_274 = arith.subi %parallel_loop3A_253, %parallel_loop3A_273 : i32
        %parallel_loop3A_275 = arith.select %parallel_loop3A_272, %parallel_loop3A_274, %parallel_loop3A_253 : i32
        %parallel_loop3A_276 = arith.constant 128 : i32
        %parallel_loop3A_277 = arith.muli %parallel_loop3A_275, %parallel_loop3A_276 : i32
        %parallel_loop3A_278 = arith.subi %parallel_loop3A_251, %parallel_loop3A_277 : i32
        %parallel_loop3A_279 = vector.broadcast %parallel_loop3A_275 : i32 to vector<16xi32>
        %parallel_loop3A_280 = vector.broadcast %parallel_loop3A_278 : i32 to vector<16xi32>
        %parallel_loop3A_281 = arith.index_cast %parallel_loop3A_251 : i32 to index
        %parallel_loop3A_282 = arith.constant 0 : index
        %parallel_loop3A_283 = tpu.vector_load %arg7[%parallel_loop3A_281, %parallel_loop3A_282] {strides = array<i32>} : memref<512x32xf32, #tpu.memory_space<vmem>>, vector<16xf32>,
        tpu.vector_store_idx %arg9[%select_n3A, %parallel_loop3A_279, %select_n3A_85, %parallel_loop3A_280], %parallel_loop3A_283 : memref<4x4x8x136xf32, #tpu.memory_space<vmem>>[vector<16xi32>, vector<16xi32>, vector<16xi32>, vector<16xi32>], vector<16xf32>,
        %parallel_loop3A_284 = arith.index_cast %parallel_loop3A_251 : i32 to index
        %parallel_loop3A_285 = arith.constant 16 : index
        %parallel_loop3A_286 = tpu.vector_load %arg7[%parallel_loop3A_284, %parallel_loop3A_285] {strides = array<i32>} : memref<512x32xf32, #tpu.memory_space<vmem>>, vector<16xf32>,
        tpu.vector_store_idx %arg9[%select_n3A_62, %parallel_loop3A_279, %select_n3A_110, %parallel_loop3A_280], %parallel_loop3A_286 : memref<4x4x8x136xf32, #tpu.memory_space<vmem>>[vector<16xi32>, vector<16xi32>, vector<16xi32>, vector<16xi32>], vector<16xf32>,
      } {sc.loop_unroll_factor = 4 : i64, sc.parallel_access}
      %mul3A_229 = arith.constant 4 : i32
      %mul3A_230 = arith.muli %mul3A_229, %add3A : i32
      %dma_start3A_231 = arith.constant 0 : i32
      %dma_start3A_232 = arith.constant 0 : i32
      %dma_start3A_233 = arith.constant 0 : i32
      %dma_start3A_234 = arith.constant 0 : i32
      %dma_start3A_235 = tpu.memref_slice %arg9[%dma_start3A_231, %dma_start3A_232, %dma_start3A_233, %dma_start3A_234] : memref<4x4x8x136xf32, #tpu.memory_space<vmem>> -> memref<4x4x8x128xf32, #tpu.memory_space<vmem>>
      %dma_start3A_236 = arith.constant 0 : i32
      %dma_start3A_237 = arith.constant 0 : i32
      %dma_start3A_238 = arith.constant 0 : i32
      %dma_start3A_239 = tpu.memref_slice %arg4[%add3A_171, %dma_start3A_236, %mul3A_230, %dma_start3A_237, %dma_start3A_238] : memref<50x4x128x8x128xf32, #tpu.memory_space<hbm>> -> memref<1x4x4x8x128xf32, #tpu.memory_space<hbm>>
      %dma_start3A_240 = tpu.memref_squeeze %dma_start3A_239 : memref<1x4x4x8x128xf32, #tpu.memory_space<hbm>> -> memref<4x4x8x128xf32, #tpu.memory_space<hbm>>
      %dma_start3A_241 = arith.constant 0 : i32
      %dma_start3A_242 = arith.constant 0 : i32
      %dma_start3A_243 = arith.constant 0 : i32
      %dma_start3A_244 = tpu.memref_slice %arg4[%add3A_171, %dma_start3A_241, %mul3A_230, %dma_start3A_242, %dma_start3A_243] : memref<50x4x128x8x128xf32, #tpu.memory_space<hbm>> -> memref<1x4x4x8x128xf32, #tpu.memory_space<hbm>>
      %dma_start3A_245 = tpu.memref_squeeze %dma_start3A_244 : memref<1x4x4x8x128xf32, #tpu.memory_space<hbm>> -> memref<4x4x8x128xf32, #tpu.memory_space<hbm>>
      %dma_start3A_246 = arith.constant 0 : i32
      %dma_start3A_247 = arith.constant 0 : i32
      %dma_start3A_248 = arith.constant 0 : i32
      %dma_start3A_249 = arith.constant 0 : i32
      %dma_start3A_250 = tpu.memref_slice %arg9[%dma_start3A_246, %dma_start3A_247, %dma_start3A_248, %dma_start3A_249] : memref<4x4x8x136xf32, #tpu.memory_space<vmem>> -> memref<4x4x8x128xf32, #tpu.memory_space<vmem>>
      tpu.enqueue_dma source(%dma_start3A_250 : memref<4x4x8x128xf32, #tpu.memory_space<vmem>>) target(%dma_start3A_245 : memref<4x4x8x128xf32, #tpu.memory_space<hbm>>) target_semaphore(%arg13 : memref<!tpu.dma_semaphore, #tpu.memory_space<semaphore_mem>>)
    }
    %scan3A_121 = arith.constant 25 : i32
    %mul3A_122 = arith.constant 4 : i32
    %mul3A_123 = arith.muli %mul3A_122, %add3A : i32
    %dma_wait3A = arith.constant 48 : i32
    %dma_wait3A_124 = arith.constant 0 : i32
    %dma_wait3A_125 = arith.constant 0 : i32
    %dma_wait3A_126 = arith.constant 0 : i32
    %dma_wait3A_127 = arith.constant 0 : i32
    %dma_wait3A_128 = tpu.memref_slice %arg8[%dma_wait3A_124, %dma_wait3A_125, %dma_wait3A_126, %dma_wait3A_127] : memref<4x4x8x136xf32, #tpu.memory_space<vmem>> -> memref<4x4x8x128xf32, #tpu.memory_space<vmem>>
    %dma_wait3A_129 = arith.constant 0 : i32
    %dma_wait3A_130 = arith.constant 0 : i32
    %dma_wait3A_131 = arith.constant 0 : i32
    %dma_wait3A_132 = tpu.memref_slice %arg4[%dma_wait3A, %dma_wait3A_129, %mul3A_123, %dma_wait3A_130, %dma_wait3A_131] : memref<50x4x128x8x128xf32, #tpu.memory_space<hbm>> -> memref<1x4x4x8x128xf32, #tpu.memory_space<hbm>>
    %dma_wait3A_133 = tpu.memref_squeeze %dma_wait3A_132 : memref<1x4x4x8x128xf32, #tpu.memory_space<hbm>> -> memref<4x4x8x128xf32, #tpu.memory_space<hbm>>
    %dma_wait3A_134 = arith.constant 0 : i32
    %dma_wait3A_135 = arith.constant 0 : i32
    %dma_wait3A_136 = arith.constant 0 : i32
    %dma_wait3A_137 = tpu.memref_slice %arg4[%dma_wait3A, %dma_wait3A_134, %mul3A_123, %dma_wait3A_135, %dma_wait3A_136] : memref<50x4x128x8x128xf32, #tpu.memory_space<hbm>> -> memref<1x4x4x8x128xf32, #tpu.memory_space<hbm>>
    %dma_wait3A_138 = tpu.memref_squeeze %dma_wait3A_137 : memref<1x4x4x8x128xf32, #tpu.memory_space<hbm>> -> memref<4x4x8x128xf32, #tpu.memory_space<hbm>>
    %dma_wait3A_139 = arith.constant 0 : i32
    %dma_wait3A_140 = arith.constant 0 : i32
    %dma_wait3A_141 = arith.constant 0 : i32
    %dma_wait3A_142 = arith.constant 0 : i32
    %dma_wait3A_143 = tpu.memref_slice %arg8[%dma_wait3A_139, %dma_wait3A_140, %dma_wait3A_141, %dma_wait3A_142] : memref<4x4x8x136xf32, #tpu.memory_space<vmem>> -> memref<4x4x8x128xf32, #tpu.memory_space<vmem>>
    tpu.wait_dma2 semaphore(%arg12 : memref<!tpu.dma_semaphore, #tpu.memory_space<semaphore_mem>>) src(%dma_wait3A_143 : memref<4x4x8x128xf32, #tpu.memory_space<vmem>>) dst(%dma_wait3A_138 : memref<4x4x8x128xf32, #tpu.memory_space<hbm>>)
    %mul3A_144 = arith.constant 4 : i32
    %mul3A_145 = arith.muli %mul3A_144, %add3A : i32
    %dma_wait3A_146 = arith.constant 49 : i32
    %dma_wait3A_147 = arith.constant 0 : i32
    %dma_wait3A_148 = arith.constant 0 : i32
    %dma_wait3A_149 = arith.constant 0 : i32
    %dma_wait3A_150 = arith.constant 0 : i32
    %dma_wait3A_151 = tpu.memref_slice %arg9[%dma_wait3A_147, %dma_wait3A_148, %dma_wait3A_149, %dma_wait3A_150] : memref<4x4x8x136xf32, #tpu.memory_space<vmem>> -> memref<4x4x8x128xf32, #tpu.memory_space<vmem>>
    %dma_wait3A_152 = arith.constant 0 : i32
    %dma_wait3A_153 = arith.constant 0 : i32
    %dma_wait3A_154 = arith.constant 0 : i32
    %dma_wait3A_155 = tpu.memref_slice %arg4[%dma_wait3A_146, %dma_wait3A_152, %mul3A_145, %dma_wait3A_153, %dma_wait3A_154] : memref<50x4x128x8x128xf32, #tpu.memory_space<hbm>> -> memref<1x4x4x8x128xf32, #tpu.memory_space<hbm>>
    %dma_wait3A_156 = tpu.memref_squeeze %dma_wait3A_155 : memref<1x4x4x8x128xf32, #tpu.memory_space<hbm>> -> memref<4x4x8x128xf32, #tpu.memory_space<hbm>>
    %dma_wait3A_157 = arith.constant 0 : i32
    %dma_wait3A_158 = arith.constant 0 : i32
    %dma_wait3A_159 = arith.constant 0 : i32
    %dma_wait3A_160 = tpu.memref_slice %arg4[%dma_wait3A_146, %dma_wait3A_157, %mul3A_145, %dma_wait3A_158, %dma_wait3A_159] : memref<50x4x128x8x128xf32, #tpu.memory_space<hbm>> -> memref<1x4x4x8x128xf32, #tpu.memory_space<hbm>>
    %dma_wait3A_161 = tpu.memref_squeeze %dma_wait3A_160 : memref<1x4x4x8x128xf32, #tpu.memory_space<hbm>> -> memref<4x4x8x128xf32, #tpu.memory_space<hbm>>
    %dma_wait3A_162 = arith.constant 0 : i32
    %dma_wait3A_163 = arith.constant 0 : i32
    %dma_wait3A_164 = arith.constant 0 : i32
    %dma_wait3A_165 = arith.constant 0 : i32
    %dma_wait3A_166 = tpu.memref_slice %arg9[%dma_wait3A_162, %dma_wait3A_163, %dma_wait3A_164, %dma_wait3A_165] : memref<4x4x8x136xf32, #tpu.memory_space<vmem>> -> memref<4x4x8x128xf32, #tpu.memory_space<vmem>>
    tpu.wait_dma2 semaphore(%arg13 : memref<!tpu.dma_semaphore, #tpu.memory_space<semaphore_mem>>) src(%dma_wait3A_166 : memref<4x4x8x128xf32, #tpu.memory_space<vmem>>) dst(%dma_wait3A_161 : memref<4x4x8x128xf32, #tpu.memory_space<hbm>>)
    return
  }
}

</mosaic_0001>

<sc_bundles>
// kernel: kernel.3.cloned.1.call-start
scs
__scs_entry_jumppad:
0x0: {  	(pc) =	sbr.rel $0x88, $3  }
0x1: {  	(tag) =	ssettag $0x0;
	lr =	simm.s32 $0x1  }
0x2: {  	[smem:$0x3F9F] =	sst lr;
	_ =	strace $0xD0000000  }
0x3: {  	_ = 	snop  }
0x4: {  	_ = 	snop  }
0x5: {  	_ = 	snop  }
0x6: {  	_ = 	snop  }
0x7: {  	_ = 	snop  }
__scs_overlays_trampoline_lowered:
0x8: {  	[smem:$0x3FAE] =	sst s0  }
0x9: {  	[smem:$0x3FAF] =	sst s1  }
0xa: {  	[smem:$0x3FB0] =	sst s2  }
0xb: {  	[smem:$0x3FB1] =	sst s3  }
0xc: {  	[smem:$0x3FB2] =	sst s4  }
0xd: {  	[smem:$0x3FB3] =	sst s5  }
0xe: {  	[smem:$0x3FB4] =	sst s6  }
0xf: {  	[smem:$0x3FB5] =	sst s7  }
0x10: {  	[smem:$0x3FB6] =	sst s8  }
0x11: {  	[smem:$0x3FB7] =	sst s9;
	s0 =	simm.s32 @!p0 $0x0  }
0x12: {  	s1 =	sld [smem:$0x3F9D];
	s0 =	simm.s32 @p0 $0x1  }
0x13: {  	[smem:$0x3FB8] =	sst s0;
	s0 =	simm.s32 @!p1 $0x0  }
0x14: {  	s2 =	sld [smem:$0x3F9C];
	s0 =	simm.s32 @p1 $0x1  }
0x15: {  	[smem:$0x3FB9] =	sst s0;
	s0 =	simm.s32 @!p2 $0x0  }
0x16: {  	s3 =	sld [smem:$0x3FDB];
	s0 =	simm.s32 @p2 $0x1  }
0x17: {  	s4 =	simm.s32 $0x1BF5;
	[smem:$0x3FBB] =	sst s0  }
0x18: {  	s0 =	sld [smem:$0x3F9E];
	_ =	swait.ge [sflag:s4], $0x0  }
0x19: {  	s7 =	sld [smem:$0x3F9F]  }
0x1a: {  	s8 =	sadd.s32 $0xFFFFE003, lr  }
0x1b: {  	s9 =	sadd.s32 $0xFFFFFEF7, lr;
	s5 =	simm.s32 $0xFFFFFFFF;
	p2 =	slt.u32 s8, $0xFFFFF086  }
0x1c: {  	p1 =	slt.u32 s9, $0xF7A;
	s5 =	simm.s32 @!p2 $0x0  }
0x1d: {  	s5 =	simm.s32 @p1 $0x1;
	p0 =	seq.s32 s7, s2  }
0x1e: {  	s7 =	smul.u32 @!p0 $0xF7A, s2;
	p2 =	seq.s32 @!p0 s5, $0x0  }
0x1f: {  	s9 =	smul.u32 $0xF7A, s1;
	s8 =	simm.s32 @!p0 $0x1BF5;
	p2 =	por !p2, p0  }
0x20: {  	[sflag:s8] =	ssyncset.s32 @!p0 $0xFFFFF086;
	s6 =	sadd.s32 @!p0 s3, s7;
	s7 =	simm.s32 @!p0 $0x108  }
0x21: {  	s3 =	sadd.s32 s3, s9;
	s6 =	sadd.s32 @!p0 $0x88, s6;
	s7 =	simm.s32 @p2 $0x1082  }
0x22: {  	[simem:s7], [sflag:s8] =	dma.local @!p0 [hbm:s6], $0xF7A  }
0x23: {  	s9 =	sor.u32 $0xD0000000, s2;
	s6 =	simm.s32 $0x108;
	_ =	swait.ge @!p0 [sflag:s8], $0x0  }
0x24: {  	s3 =	sadd.s32 $0x88, s3;
	s6 =	simm.s32 @!p1 $0x1082;
	[sflag:s4] =	ssyncset.s32 $0xFFFFF086  }
0x25: {  	[simem:s6], [sflag:s4] =	dma.local [hbm:s3], $0xF7A  }
0x26: {  	[smem:$0x3F9F] =	sst s1;
	(tag) =	ssettag s2;
	_ =	strace s9  }
0x27: {  	s1 =	sld [smem:$0x3FAF]  }
0x28: {  	s2 =	sld [smem:$0x3FB0]  }
0x29: {  	s4 =	sld [smem:$0x3FB2]  }
0x2a: {  	p0 =	seq.s32 s5, $0x0;
	s5 =	sld [smem:$0x3FB3]  }
0x2b: {  	s6 =	sld [smem:$0x3FB4]  }
0x2c: {  	s7 =	sld [smem:$0x3FB5]  }
0x2d: {  	s3 =	simm.s32 $0x108;
	s8 =	sld [smem:$0x3FB6]  }
0x2e: {  	s3 =	simm.s32 @!p0 $0x1082;
	s9 =	sld [smem:$0x3FB7]  }
0x2f: {  	lr =	sadd.s32 s0, s3;
	s0 =	sld [smem:$0x3FAE]  }
0x30: {  	s3 =	sld [smem:$0x3FB1]  }
0x31: {  	[smem:$0x3FBA] =	sst s10  }
0x32: {  	s10 =	sld [smem:$0x3FB8];
	_ =	sdelay $0x3  }
0x33: {  	p0 =	seq.s32 s10, $0x1;
	s10 =	sld [smem:$0x3FBA];
	_ =	sdelay $0x3  }
0x34: {  	[smem:$0x3FBA] =	sst s10  }
0x35: {  	s10 =	sld [smem:$0x3FB9];
	_ =	sdelay $0x3  }
0x36: {  	p1 =	seq.s32 s10, $0x1;
	s10 =	sld [smem:$0x3FBA];
	_ =	sdelay $0x3  }
0x37: {  	[smem:$0x3FBA] =	sst s10  }
0x38: {  	s10 =	sld [smem:$0x3FBB]  }
0x39: {  	_ = 	snop;
	(pc) =	sbr.ind lr, $3  }
0x3a: {  	_ = 	snop  }
0x3b: {  	_ = 	snop  }
0x3c: {  	p2 =	seq.s32 s10, $0x1;
	s10 =	sld [smem:$0x3FBA]  }
0x3d: {  	_ =	shalt  }
0x3e: {  	_ =	shalt  }
0x3f: {  	_ =	shalt  }
0x40: {  	_ =	shalt  }
0x41: {  	_ =	shalt  }
0x42: {  	_ =	shalt  }
0x43: {  	_ =	shalt  }
0x44: {  	_ =	shalt  }
0x45: {  	_ =	shalt  }
0x46: {  	_ =	shalt  }
0x47: {  	_ =	shalt  }
0x48: {  	_ =	shalt  }
0x49: {  	_ =	shalt  }
0x4a: {  	_ =	shalt  }
0x4b: {  	_ =	shalt  }
0x4c: {  	_ =	shalt  }
0x4d: {  	_ =	shalt  }
0x4e: {  	_ =	shalt  }
0x4f: {  	_ =	shalt  }
0x50: {  	_ =	shalt  }
0x51: {  	_ =	shalt  }
0x52: {  	_ =	shalt  }
0x53: {  	_ =	shalt  }
0x54: {  	_ =	shalt  }
0x55: {  	_ =	shalt  }
0x56: {  	_ =	shalt  }
0x57: {  	_ =	shalt  }
0x58: {  	_ =	shalt  }
0x59: {  	_ =	shalt  }
0x5a: {  	_ =	shalt  }
0x5b: {  	_ =	shalt  }
0x5c: {  	_ =	shalt  }
0x5d: {  	_ =	shalt  }
0x5e: {  	_ =	shalt  }
0x5f: {  	_ =	shalt  }
0x60: {  	_ =	shalt  }
0x61: {  	_ =	shalt  }
0x62: {  	_ =	shalt  }
0x63: {  	_ =	shalt  }
0x64: {  	_ =	shalt  }
0x65: {  	_ =	shalt  }
0x66: {  	_ =	shalt  }
0x67: {  	_ =	shalt  }
0x68: {  	_ =	shalt  }
0x69: {  	_ =	shalt  }
0x6a: {  	_ =	shalt  }
0x6b: {  	_ =	shalt  }
0x6c: {  	_ =	shalt  }
0x6d: {  	_ =	shalt  }
0x6e: {  	_ =	shalt  }
0x6f: {  	_ =	shalt  }
0x70: {  	_ =	shalt  }
0x71: {  	_ =	shalt  }
0x72: {  	_ =	shalt  }
0x73: {  	_ =	shalt  }
0x74: {  	_ =	shalt  }
0x75: {  	_ =	shalt  }
0x76: {  	_ =	shalt  }
0x77: {  	_ =	shalt  }
0x78: {  	_ =	shalt  }
0x79: {  	_ =	shalt  }
0x7a: {  	_ =	shalt  }
0x7b: {  	_ =	shalt  }
0x7c: {  	_ =	shalt  }
0x7d: {  	_ =	shalt  }
0x7e: {  	_ =	shalt  }
0x7f: {  	_ =	shalt  }
0x80: {  	_ =	shalt  }
0x81: {  	_ =	shalt  }
0x82: {  	_ =	shalt  }
0x83: {  	_ =	shalt  }
0x84: {  	_ =	shalt  }
0x85: {  	_ =	shalt  }
0x86: {  	_ =	shalt  }
0x87: {  	_ =	shalt  }
.Lfunc_end0:
.L_simem_size_0:
called_computation_lowered:
.L_overlay_start_0:
0x88: {  	s2 =	sld [smem:$0x3FD9]  }
0x89: {  	s3 =	sld [smem:$0x3FFE];
	_ =	sdelay $0x1  }
0x8a: {  	s1 =	srdreg.scid  }
0x8b: {  	s0 =	sand.u32 $0x1, s1  }
0x8c: {  	s17 =	sshll.u32 s0, $0xA;
	s2 =	sadd.s32 s3, s2  }
0x8d: {  	s2 =	sadd.s32 s2, s17  }
0x8e: {  	[smem:$0x3FC6] =	sst s2  }
0x8f: {  	_ = 	snop  }
0x90: {  	s2 =	sld [smem:$0x3FD0];
	(tm) =	ssettm $0x1  }
0x91: {  	s18 =	sld [smem:$0x3FFB];
	_ =	sdelay $0x3  }
0x92: {  	_ =	strace s18  }
0x93: {  	s3 =	sld [smem:$0x3FFC];
	_ =	sdelay $0x3  }
0x94: {  	_ =	strace s3  }
0x95: {  	s3 =	sld [smem:$0x3FFD];
	_ =	sdelay $0x3  }
0x96: {  	_ =	strace s3  }
0x97: {  	_ =	strace $0x8FFFFFFF  }
0x98: {  	s19 =	sld [smem:$0x3FDB];
	_ =	sdelay $0x1  }
0x99: {  	s4 =	simm.s32 $_scs_section_size  }
0x9a: {  	s5 =	simm.s32 $_size__tile_overlayer_lowered;
	s6 =	simm.s32 $_tile_overlayer_lowered  }
0x9b: {  	s22 =	simm.s32 $0x1BFF;
	s21 =	sshll.u32 s6, $0x1;
	s3 =	sadd.s32 s4, s19  }
0x9c: {  	s7 =	simm.s32 $0x0;
	s20 =	sshll.u32 s5, $0x1;
	s5 =	sadd.s32 s21, s3  }
0x9d: {  	[timem:s7], [sflag:s22] =	dma.local [hbm:s5], s20  }
0x9e: {  	_ =	swait.ge [sflag:s22], s20  }
0x9f: {  	s4 =	ssub.s32 $0x0, s20;
	[sflag:s22] =	ssyncset.done $0x0  }
0xa0: {  	[sflag:s22] =	ssyncadd.s32 s4;
	_ =	sdelay $0x1  }
0xa1: {  	s23 =	simm.s32 $0x1B8B  }
0xa2: {  	_ =	swait.ge [sflag:s23], $0x1  }
0xa3: {  	[sflag:s23] =	ssyncset.done $0x0  }
0xa4: {  	s25 =	simm.s32 $0x1B8E;
	s24 =	sld [smem:$0x3FFE];
	[sflag:s23] =	ssyncadd.s32 $0xFFFFFFFF  }
0xa5: {  	s26 =	simm.s32 $execute0_lowered;
	[smem:$0x3FD2] =	sst s25  }
0xa6: {  	s5 =	sshll.u32 s26, $0x1;
	_ =	strace $0x80000046;
	[dreg:$0x1] =	wrdreg $0xFFFFFFFF  }
0xa7: {  	s28 =	simm.s32 $_size_execute0_lowered;
	s3 =	sadd.s32 s3, s5;
	[dreg:$0x0] =	wrdreg $0x0  }
0xa8: {  	s5 =	sshll.u32 s28, $0x1;
	[dreg:$0x2] =	wrdreg s3  }
0xa9: {  	[dreg:$0x3] =	wrdreg s5  }
0xaa: {  	[dreg:$0x4] =	wrdreg $0xC0  }
0xab: {  	_ =	task [dreg:s7], $0x5FFFF  }
0xac: {  	[dreg:$0x1] =	wrdreg $0xFFFFFFFF  }
0xad: {  	[dreg:$0x0] =	wrdreg $0x60  }
0xae: {  	[dreg:$0x2] =	wrdreg s24  }
0xaf: {  	[dreg:$0x3] =	wrdreg s2  }
0xb0: {  	[dreg:$0x4] =	wrdreg $0x9  }
0xb1: {  	_ =	task.clear_ibuf [dreg:s7], $0x5FFFF;
	_ =	strace $0x90000046  }
0xb2: {  	s29 =	simm.s32 $0x9;
	_ =	strace $0x80000048  }
0xb3: {  	_ =	swait.ge [sflag:s29], $0x1  }
0xb4: {  	[sflag:s29] =	ssyncadd.s32 $0xFFFFFFFF  }
0xb5: {  	_ =	strace $0x90000048  }
0xb6: {  	_ =	sfence  }
0xb7: {  	s30 =	sld [smem:$0x0];
	_ =	sdelay $0x2  }
0xb8: {  	s31 =	sshll.u32 s1, $0xD;
	s1 =	sshrl.u32 s1, $0x2  }
0xb9: {  	s3 =	sand.u32 $0x4000, s31;
	s1 =	sadd.s32 s1, s30  }
0xba: {  	s0 =	sor.u32 s3, s0;
	s1 =	sshll.u32 s1, $0x11  }
0xbb: {  	s0 =	sor.u32 s1, s0  }
0xbc: {  	s0 =	sadd.s32 $0x8F2B, s0  }
0xbd: {  	[sflag:s0] =	ssyncadd.remote.s32 $0x1  }
0xbe: {  	_ =	sfence.sel $0xFFFF  }
0xbf: {  	[dreg:$0x0] =	wrdreg $0xFFFFFFFF;
	(pc) =	sbr.abs _section_cstart, $3  }
0xc0: {  	[dreg:$0x1] =	wrdreg $0xFFFFFFFF  }
0xc1: {  	_ =	task.clear_ibuf [dreg:s7], $0x2FFFF;
	_ =	strace $0x9FFFFFFF  }
0xc2: {  	(tm) =	ssettm $0x7FFFFFFF  }
0xc3: {  	_ =	shalt  }
tec
execute0_lowered:
.L_overlay_start_1:
0x0: {  	(tag) =	ssettag $0x1  }
0x1: {  	v0 =	vimm.s32 $0x14B8;
	vm0 =	vcmask $0x300;
	v1 =	vimm.s32 $0x36B8  }
0x2: {  	vm1 =	vcmask $0x704;
	v0 =	vsel vm0, $0x0, v0;
	v1 =	vsel vm0, $0x2200, v1  }
0x3: {  	vm15 =	vcmask $0xB08;
	v0 =	vsel vm1, $0x88, v0;
	v1 =	vsel vm1, $0x2288, v1  }
0x4: {  	s4 =	rddreg [dreg:$0x0];
	vm4 =	vcmask $0xF0C;
	v0 =	vsel vm15, $0x110, v0;
	v1 =	vsel vm15, $0x2310, v1  }
0x5: {  	s1 =	rddreg [dreg:$0x1];
	vm5 =	vcmask $0x1310;
	v0 =	vsel vm4, $0x198, v0;
	v1 =	vsel vm4, $0x2398, v1  }
0x6: {  	s0 =	rddreg [dreg:$0x2];
	vm6 =	vcmask $0x1714;
	v0 =	vsel vm5, $0x220, v0;
	v1 =	vsel vm5, $0x2420, v1  }
0x7: {  	s5 =	srdreg.scid;
	s2 =	stileid.u32;
	vm7 =	vcmask $0x1B18;
	v0 =	vsel vm6, $0x2A8, v0;
	v1 =	vsel vm6, $0x24A8, v1  }
0x8: {  	s3 =	simm.s32 $0x0;
	vm8 =	vcmask $0x1F1C;
	s9 =	simm.s32 $0x4000;
	s10 =	simm.s32 $0x5;
	v0 =	vsel vm7, $0x330, v0;
	v1 =	vsel vm7, $0x2530, v1  }
0x9: {  	vm9 =	vcmask $0x2320;
	s11 =	simm.s32 $0x6400;
	s12 =	simm.s32 $0x1;
	s13 =	simm.s32 $0xA400;
	v0 =	vsel vm8, $0x3B8, v0;
	v1 =	vsel vm8, $0x25B8, v1  }
0xa: {  	vm10 =	vcmask $0x2724;
	s14 =	simm.s32 $0xE400;
	s15 =	simm.s32 $0x2;
	s16 =	simm.s32 $0x12800;
	v0 =	vsel vm9, $0x1100, v0;
	v1 =	vsel vm9, $0x3300, v1  }
0xb: {  	vm11 =	vcmask $0x2B28;
	s17 =	simm.s32 $0x3;
	s18 =	simm.s32 $0x4;
	s19 =	simm.s32 $0x0;
	v0 =	vsel vm10, $0x1188, v0;
	v1 =	vsel vm10, $0x3388, v1  }
0xc: {  	vm12 =	vcmask $0x2F2C;
	s5 =	sand.u32 $0x1, s5;
	s6 =	sshll.u32 s2, $0x1;
	[smem:$0x7FF] =	sst s3;
	v0 =	vsel vm11, $0x1210, v0;
	v1 =	vsel vm11, $0x3410, v1  }
0xd: {  	vm13 =	vcmask $0x3330;
	s6 =	sor.u32 s5, s6;
	s5 =	ssub.s32 $0x2, s5;
	_ =	strace $0x80000047;
	v0 =	vsel vm12, $0x1298, v0;
	v1 =	vsel vm12, $0x3498, v1  }
0xe: {  	vm14 =	vcmask $0x3734;
	s7 =	sshll.u32 s6, $0x6;
	s8 =	sshrl.u32 s5, $0x1;
	s6 =	sshll.u32 s6, $0xC;
	v0 =	vsel vm13, $0x1320, v0;
	v1 =	vsel vm13, $0x3520, v1  }
0xf: {  	vm15 =	vcmask $0x3B38;
	s7 =	sadd.s32 s7, s4;
	s4 =	sadd.s32 $0xF42A00, s4;
	s8 =	ssub.s32 s5, s8;
	v0 =	vsel vm14, $0x13A8, v0;
	v1 =	vsel vm14, $0x35A8, v1  }
0x10: {  	s5 =	sadd.s32 $0x600, s7;
	s7 =	smax.u32 s8, $0x1;
	s8 =	simm.s32 $0x200;
	v0 =	vsel vm15, $0x1430, v0;
	v1 =	vsel vm15, $0x3630, v1  }
.LBB2_1:
0x11: {  	[tilespmem:s3], [sflag:$0x5] =	stream.strided.gather [hbm4b:s5+s8], $0x6400, s9, s8, $0x38;
	[tilespmem:$0x16C00] =	vst v63  }
0x12: {  	_ =	swait.ge [sflag:s10], $0x6400  }
0x13: {  	[sflag:s10] =	ssyncset.done $0x0  }
0x14: {  	s20 =	simm.s32 $0x0;
	[sflag:s10] =	ssyncadd.s32 $0xFFFF9C00  }
0x15: {  	[tilespmem:s11], [sflag:$0x1] =	stream.indirect.gather [hbm4b:s4+s8], $0x20, s3, s8, $0xb8;
	[tilespmem:$0x16C00] =	vst v63  }
.LBB2_2:
0x16: {  	s22 =	simm.s32 $0x0;
	s23 =	simm.s32 $0x0  }
0x17: {  	_ =	swait.ge [sflag:s12], $0x4000;
	s21 =	sshllo.u32 s20, $0x1;
	s24 =	sand.u32 $0x7F, s22;
	v2 =	vmov s23  }
0x18: {  	p0 =	seq.s32 s20, $0x0;
	[sflag:s12] =	ssyncset.done $0x0;
	v3 =	vmov s22;
	s31 =	sadd.s32 $0x1, s24;
	v2 =	vmul.u32 $0x440, v2  }
0x19: {  	s30 =	sshll.u32 s21, $0x9;
	s25 =	sadd.s32 $0x2, s24;
	s24 =	sadd.s32 $0x3, s24;
	v7 =	vand.u32 $0x4, v3;
	v13 =	vand.u32 $0x78, v3;
	v4 =	vmov s31  }
0x1a: {  	s22 =	simm.s32 @!p0 $0x3;
	[sflag:s12] =	ssyncadd.s32 $0xFFFFC000;
	s23 =	sand.u32 $0x3FFFFE00, s30;
	v5 =	vmov s24;
	v6 =	vmov s25;
	v2 =	vbroadcast v2, $0x0  }
0x1b: {  	[tilespmem:s13], [sflag:$0x2] =	stream.indirect.gather [hbm4b:s4+s8], $0x20, s23, s8, $0xb8;
	v8 =	vand.u32 $0xFFFFFFF8, v4;
	v4 =	vand.u32 $0x5, v4;
	v9 =	vand.u32 $0xFFFFFFF8, v5;
	[tilespmem:$0x16C00] =	vst v63  }
0x1c: {  	v12 =	vand.u32 $0xFFFFFFF8, v6;
	_ =	swait.ge @!p0 [sflag:s22], $0x4000;
	v3 =	vand.u32 $0x6, v6;
	v10 =	vadd.s32 v0, v2  }
0x1d: {  	v5 =	vand.u32 $0x7, v5;
	[sflag:s22] =	ssyncset.done @!p0 $0x0;
	v11 =	vadd.s32 v1, v2;
	v2 =	vadd.s32 v8, v10  }
0x1e: {  	s23 =	simm.s32 $0x6440;
	[sflag:s22] =	ssyncadd.s32 @!p0 $0xFFFFC000;
	v6 =	vadd.s32 v13, v10;
	v14 =	vadd.s32 v9, v10;
	v10 =	vadd.s32 v12, v10  }
0x1f: {  	v9 =	vadd.s32 v9, v11;
	v15 =	vld [tilespmem:s23+$0x20];
	v14 =	vor.u32 v5, v14;
	v18 =	vor.u32 v4, v2  }
0x20: {  	s26 =	simm.s32 $0x4;
	s28 =	simm.s32 $0x0;
	v20 =	vld [tilespmem:s23+$0xFFFFFFC0];
	v2 =	vadd.s32 v8, v11;
	v10 =	vor.u32 v3, v10;
	v16 =	vor.u32 v7, v6  }
0x21: {  	s29 =	sand.u32 $0x7F, s26;
	v6 =	vmov s28;
	v2 =	vor.u32 v4, v2;
	v4 =	vadd.s32 v12, v11;
	v12 =	vld [tilespmem:s23+$0x0]  }
0x22: {  	s30 =	sadd.s32 $0x1, s29;
	s31 =	sadd.s32 $0x3, s29;
	v8 =	vmul.u32 $0x440, v6;
	v6 =	vor.u32 v5, v9;
	v9 =	vld [tilespmem:s23+$0xFFFFFFE0]  }
0x23: {  	v19 =	vmov s26;
	v17 =	vmov s30;
	v21 =	vmov s31  }
0x24: {  	v22 =	vand.u32 $0xFFFFFFF8, v17;
	v23 =	vand.u32 $0xFFFFFFF8, v21;
	s22 =	simm.s32 $0x64C0;
	v11 =	vadd.s32 v13, v11;
	[tilespmem:v14+s14+$0x0] =	vst.idx.msk $0xffff, v15  }
0x25: {  	s25 =	sadd.s32 $0x2, s29;
	v5 =	vld [tilespmem:s22+$0xFFFFFFC0];
	v3 =	vor.u32 v3, v4;
	v4 =	vand.u32 $0x4, v19;
	v14 =	vbroadcast v8, $0x0;
	[tilespmem:v16+s14+$0x0] =	vst.idx.msk $0xffff, v20  }
0x26: {  	v15 =	vmov s25;
	v8 =	vor.u32 v7, v11;
	v11 =	vand.u32 $0x5, v17;
	v13 =	vld [tilespmem:s23+$0x30];
	[tilespmem:v10+s14+$0x0] =	vst.idx.msk $0xffff, v12  }
0x27: {  	v17 =	vand.u32 $0xFFFFFFF8, v15;
	v12 =	vld [tilespmem:s22+$0x20];
	v16 =	vand.u32 $0x6, v15;
	[tilespmem:v18+s14+$0x0] =	vst.idx.msk $0xffff, v9;
	v18 =	vand.u32 $0x7, v21  }
0x28: {  	v21 =	vld [tilespmem:s22+$0x0];
	v25 =	vadd.s32 v0, v14;
	v10 =	vadd.s32 v1, v14;
	v14 =	vand.u32 $0x78, v19  }
0x29: {  	v7 =	vld [tilespmem:s23+$0x10];
	v26 =	vadd.s32 v22, v25;
	v24 =	vadd.s32 v14, v25;
	v9 =	vadd.s32 v23, v25  }
0x2a: {  	v19 =	vld [tilespmem:s23+$0xFFFFFFD0];
	v27 =	vadd.s32 v17, v25;
	v23 =	vadd.s32 v23, v10;
	v25 =	vadd.s32 v22, v10  }
0x2b: {  	s25 =	simm.s32 $0x8;
	v20 =	vor.u32 v18, v9;
	v9 =	vld [tilespmem:s23+$0xFFFFFFF0];
	v15 =	vor.u32 v11, v26;
	v22 =	vor.u32 v16, v27;
	s23 =	simm.s32 $0x6540  }
.LBB2_3:
0x2c: {  	s26 =	sshrl.u32 s25, $0x7  }
0x2d: {  	v26 =	vld [tilespmem:s23+$0xFFFFFFC0];
	s28 =	sand.u32 $0x7F, s25;
	v24 =	vor.u32 v4, v24;
	v25 =	vor.u32 v11, v25;
	v11 =	vadd.s32 v17, v10;
	s29 =	smov.u32 s25;
	s24 =	sadd.s32 $0x4, s25  }
0x2e: {  	p0 =	slt.u32 s25, $0x1FC;
	v17 =	vmov s26;
	v27 =	vmov s29;
	s26 =	sadd.s32 $0x1, s28;
	s29 =	sadd.s32 $0x2, s28;
	v28 =	vld [tilespmem:s22+$0xFFFFFFE0];
	v29 =	vor.u32 v16, v11;
	[tilespmem:v6+s14+$0x0] =	vst.idx.msk $0xffff, v13  }
0x2f: {  	s25 =	sadd.s32 $0x3, s28;
	v6 =	vor.u32 v18, v23;
	v11 =	vmul.u32 $0x440, v17;
	v13 =	vmov s26;
	[tilespmem:v8+s14+$0x0] =	vst.idx.msk $0xffff, v19  }
0x30: {  	v16 =	vand.u32 $0x4, v27;
	v18 =	vmov s25;
	v8 =	vadd.s32 v14, v10;
	[tilespmem:v20+s14+$0x0] =	vst.idx.msk $0xffff, v12  }
0x31: {  	v19 =	vmov s29;
	v8 =	vor.u32 v4, v8;
	v4 =	vmovc v16;
	v10 =	vbroadcast v11, $0x0;
	[tilespmem:v22+s14+$0x0] =	vst.idx.msk $0xffff, v21  }
0x32: {  	v21 =	vand.u32 $0xFFFFFFF8, v13;
	v11 =	vand.u32 $0x5, v13;
	v22 =	vand.u32 $0xFFFFFFF8, v18;
	[tilespmem:v24+s14+$0x0] =	vst.idx.msk $0xffff, v5;
	v13 =	vld [tilespmem:s22+$0x30];
	v5 =	vmovc v26  }
.Ltmp0:
0x33: {  	v17 =	vand.u32 $0xFFFFFFF8, v19;
	v20 =	vadd.s32 v0, v10;
	v10 =	vadd.s32 v1, v10;
	v12 =	vld [tilespmem:s23+$0x20];
	[tilespmem:v15+s14+$0x0] =	vst.idx.msk $0xffff, v28;
	(pc) =	sbr.rel @p0 .LBB2_3-.Ltmp0, $4  }
0x34: {  	v14 =	vand.u32 $0x78, v27;
	v16 =	vand.u32 $0x6, v19;
	v15 =	vadd.s32 v21, v20;
	[tilespmem:v3+s14+$0x0] =	vst.idx.msk $0xffff, v7;
	v7 =	vld [tilespmem:s22+$0x10];
	v3 =	vmovc v29  }
0x35: {  	v18 =	vand.u32 $0x7, v18;
	v24 =	vadd.s32 v14, v20;
	v23 =	vadd.s32 v22, v20;
	v19 =	vld [tilespmem:s22+$0xFFFFFFD0];
	[tilespmem:v2+s14+$0x0] =	vst.idx.msk $0xffff, v9  }
0x36: {  	v26 =	vadd.s32 v17, v20;
	v20 =	vor.u32 v18, v23;
	v23 =	vadd.s32 v22, v10;
	v2 =	vmovc v25;
	v9 =	vld [tilespmem:s22+$0xFFFFFFF0];
	s22 =	smov.u32 s23  }
0x37: {  	s25 =	smov.u32 s24;
	v15 =	vor.u32 v11, v15;
	v25 =	vadd.s32 v21, v10;
	v22 =	vor.u32 v16, v26;
	s23 =	sadd.s32 $0x80, s23;
	v21 =	vld [tilespmem:s22+$0x0]  }
0x38: {  	_ =	sdelay $0x2  }
0x39: {  	v24 =	vor.u32 v4, v24  }
0x3a: {  	[tilespmem:v6+s14+$0x0] =	vst.idx.msk $0xffff, v13;
	v56 =	vld [tilespmem:s22+$0xFFFFFFE0]  }
0x3b: {  	[tilespmem:v20+s14+$0x0] =	vst.idx.msk $0xffff, v12  }
0x3c: {  	[tilespmem:v3+s14+$0x0] =	vst.idx.msk $0xffff, v7  }
0x3d: {  	v57 =	vor.u32 v18, v23;
	v60 =	vadd.s32 v17, v10;
	v59 =	vld [tilespmem:s22+$0x30];
	[tilespmem:v22+s14+$0x0] =	vst.idx.msk $0xffff, v21  }
0x3e: {  	v58 =	vadd.s32 v14, v10;
	v10 =	vor.u32 v16, v60;
	[tilespmem:v24+s14+$0x0] =	vst.idx.msk $0xffff, v5;
	v63 =	vld [tilespmem:s22+$0x10]  }
0x3f: {  	v61 =	vor.u32 v4, v58;
	[tilespmem:v15+s14+$0x0] =	vst.idx.msk $0xffff, v56;
	v62 =	vld [tilespmem:s22+$0xFFFFFFD0]  }
0x40: {  	v11 =	vor.u32 v11, v25;
	[tilespmem:v8+s14+$0x0] =	vst.idx.msk $0xffff, v19;
	v3 =	vld [tilespmem:s22+$0xFFFFFFF0]  }
0x41: {  	s31 =	sshll.u32 s20, $0x14;
	[tilespmem:v2+s14+$0x0] =	vst.idx.msk $0xffff, v9  }
0x42: {  	[tilespmem:v57+s14+$0x0] =	vst.idx.msk $0xffff, v59;
	s22 =	sor.u32 s6, s31  }
0x43: {  	s22 =	sshrl.u32 s22, $0x3;
	[tilespmem:v10+s14+$0x0] =	vst.idx.msk $0xffff, v63  }
0x44: {  	s23 =	simm.s32 $0xE400;
	s22 =	sadd.s32 s1, s22;
	[tilespmem:v61+s14+$0x0] =	vst.idx.msk $0xffff, v62  }
0x45: {  	s24 =	simm.s32 $0x10;
	s25 =	simm.s32 $0xE488;
	s26 =	sadd.s32 $0x0, s22;
	[tilespmem:v11+s14+$0x0] =	vst.idx.msk $0xffff, v3  }
.LBB2_5:
0x46: {  	[hbm4b:s26+s3] =	stream.linear.scatter [tilespmem:s23], [sflag:$0x3], $0x80, $0x38;
	[tilespmem:$0x16C00] =	vst v63  }
0x47: {  	s26 =	smov.u32 s24;
	s23 =	smov.u32 s25;
	p0 =	sne.s32 s24, $0x1F0  }
.Ltmp1:
0x48: {  	s24 =	sadd.s32 $0x10, s24;
	(pc) =	sbr.rel @p0 .LBB2_5-.Ltmp1, $2  }
0x49: {  	_ =	sdelay $0x2  }
0x4a: {  	s25 =	sadd.s32 $0x88, s25;
	s26 =	sadd.s32 s26, s22  }
0x4b: {  	[hbm4b:s26+s3] =	stream.linear.scatter [tilespmem:s23], [sflag:$0x3], $0x80, $0x38;
	[tilespmem:$0x16C00] =	vst v63  }
0x4c: {  	s23 =	sadd.s32 $0x4000, s22;
	s24 =	simm.s32 $0xF500  }
0x4d: {  	s25 =	simm.s32 $0x10;
	s26 =	simm.s32 $0xF588;
	s28 =	sadd.s32 $0x0, s23  }
.LBB2_7:
0x4e: {  	[hbm4b:s28+s3] =	stream.linear.scatter [tilespmem:s24], [sflag:$0x3], $0x80, $0x38;
	[tilespmem:$0x16C00] =	vst v63  }
0x4f: {  	s28 =	smov.u32 s25;
	s24 =	smov.u32 s26;
	p0 =	sne.s32 s25, $0x1F0  }
.Ltmp2:
0x50: {  	s25 =	sadd.s32 $0x10, s25;
	(pc) =	sbr.rel @p0 .LBB2_7-.Ltmp2, $2  }
0x51: {  	_ =	sdelay $0x2  }
0x52: {  	s26 =	sadd.s32 $0x88, s26;
	s28 =	sadd.s32 s28, s23  }
0x53: {  	[hbm4b:s28+s3] =	stream.linear.scatter [tilespmem:s24], [sflag:$0x3], $0x80, $0x38;
	[tilespmem:$0x16C00] =	vst v63  }
0x54: {  	s23 =	sadd.s32 $0x8000, s22;
	s24 =	simm.s32 $0x10600  }
0x55: {  	s25 =	simm.s32 $0x10;
	s26 =	simm.s32 $0x10688;
	s28 =	sadd.s32 $0x0, s23  }
.LBB2_9:
0x56: {  	[hbm4b:s28+s3] =	stream.linear.scatter [tilespmem:s24], [sflag:$0x3], $0x80, $0x38;
	[tilespmem:$0x16C00] =	vst v63  }
0x57: {  	s28 =	smov.u32 s25;
	s24 =	smov.u32 s26;
	p0 =	sne.s32 s25, $0x1F0  }
.Ltmp3:
0x58: {  	s25 =	sadd.s32 $0x10, s25;
	(pc) =	sbr.rel @p0 .LBB2_9-.Ltmp3, $2  }
0x59: {  	_ =	sdelay $0x2  }
0x5a: {  	s26 =	sadd.s32 $0x88, s26;
	s28 =	sadd.s32 s28, s23  }
0x5b: {  	[hbm4b:s28+s3] =	stream.linear.scatter [tilespmem:s24], [sflag:$0x3], $0x80, $0x38;
	[tilespmem:$0x16C00] =	vst v63  }
0x5c: {  	s22 =	sadd.s32 $0xC000, s22;
	s23 =	simm.s32 $0x11700  }
0x5d: {  	s24 =	simm.s32 $0x10;
	s25 =	simm.s32 $0x11788;
	s26 =	sadd.s32 $0x0, s22  }
.LBB2_11:
0x5e: {  	[hbm4b:s26+s3] =	stream.linear.scatter [tilespmem:s23], [sflag:$0x3], $0x80, $0x38;
	[tilespmem:$0x16C00] =	vst v63  }
0x5f: {  	s26 =	smov.u32 s24;
	s23 =	smov.u32 s25;
	p0 =	sne.s32 s24, $0x1F0  }
.Ltmp4:
0x60: {  	s24 =	sadd.s32 $0x10, s24;
	(pc) =	sbr.rel @p0 .LBB2_11-.Ltmp4, $2  }
0x61: {  	_ =	sdelay $0x2  }
0x62: {  	s25 =	sadd.s32 $0x88, s25;
	s26 =	sadd.s32 s26, s22  }
0x63: {  	[hbm4b:s26+s3] =	stream.linear.scatter [tilespmem:s23], [sflag:$0x3], $0x80, $0x38;
	[tilespmem:$0x16C00] =	vst v63  }
0x64: {  	p0 =	seq.s32 s20, $0x18  }
0x65: {  	s26 =	simm.s32 $0x0;
	s28 =	simm.s32 $0x0;
	_ =	swait.ge [sflag:s15], $0x4000  }
0x66: {  	s22 =	sshll.u32 @!p0 s20, $0xA;
	p1 =	seq.s32 @!p0 s20, $0x0;
	s23 =	simm.s32 @!p0 $0x200  }
0x67: {  	s24 =	simm.s32 @!p0 $0x6400;
	s29 =	sand.u32 $0x7F, s26;
	v2 =	vmov s28;
	[sflag:s15] =	ssyncset.done $0x0  }
0x68: {  	v3 =	vmov s26;
	s22 =	sand.u32 @!p0 $0x3FFFFC00, s22;
	s30 =	sadd.s32 $0x1, s29;
	v2 =	vmul.u32 $0x440, v2;
	s31 =	sadd.s32 $0x2, s29  }
0x69: {  	s25 =	sadd.s32 $0x3, s29;
	v7 =	vand.u32 $0x4, v3;
	v13 =	vand.u32 $0x78, v3;
	[sflag:s15] =	ssyncadd.s32 $0xFFFFC000;
	s22 =	sadd.s32 @!p0 $0x400, s22;
	v4 =	vmov s30  }
0x6a: {  	v5 =	vmov s25;
	v6 =	vmov s31;
	[tilespmem:s24], [sflag:$0x1] =	stream.indirect.gather @!p0 [hbm4b:s4+s23], $0x20, s22, s23, $0xb8;
	v2 =	vbroadcast v2, $0x0;
	[tilespmem:$0x16C00] =	vst v63  }
0x6b: {  	p0 =	por p0, !p1;
	v8 =	vand.u32 $0xFFFFFFF8, v4;
	v4 =	vand.u32 $0x5, v4;
	v9 =	vand.u32 $0xFFFFFFF8, v5  }
0x6c: {  	v12 =	vand.u32 $0xFFFFFFF8, v6;
	v3 =	vand.u32 $0x6, v6;
	_ =	swait.ge @p0 [sflag:s18], $0x4000;
	v10 =	vadd.s32 v0, v2  }
0x6d: {  	v5 =	vand.u32 $0x7, v5;
	[sflag:s18] =	ssyncset.done @p0 $0x0;
	v11 =	vadd.s32 v1, v2;
	v2 =	vadd.s32 v8, v10  }
0x6e: {  	s26 =	simm.s32 $0xA440;
	[sflag:s18] =	ssyncadd.s32 @p0 $0xFFFFC000;
	v6 =	vadd.s32 v13, v10;
	v14 =	vadd.s32 v9, v10;
	v10 =	vadd.s32 v12, v10  }
0x6f: {  	v9 =	vadd.s32 v9, v11;
	v14 =	vor.u32 v5, v14;
	v15 =	vld [tilespmem:s26+$0x20];
	v18 =	vor.u32 v4, v2  }
0x70: {  	s28 =	simm.s32 $0x4;
	s29 =	simm.s32 $0x0;
	v2 =	vadd.s32 v8, v11;
	v10 =	vor.u32 v3, v10;
	v16 =	vor.u32 v7, v6;
	v20 =	vld [tilespmem:s26+$0xFFFFFFC0]  }
0x71: {  	s25 =	sand.u32 $0x7F, s28;
	v6 =	vmov s29;
	v2 =	vor.u32 v4, v2;
	v4 =	vadd.s32 v12, v11;
	v12 =	vld [tilespmem:s26+$0x0]  }
0x72: {  	s30 =	sadd.s32 $0x1, s25;
	s31 =	sadd.s32 $0x3, s25;
	v8 =	vmul.u32 $0x440, v6;
	v6 =	vor.u32 v5, v9;
	v9 =	vld [tilespmem:s26+$0xFFFFFFE0]  }
0x73: {  	v19 =	vmov s28;
	v17 =	vmov s30;
	v21 =	vmov s31  }
0x74: {  	s22 =	simm.s32 $0xA4C0;
	v22 =	vand.u32 $0xFFFFFFF8, v17;
	v23 =	vand.u32 $0xFFFFFFF8, v21;
	v11 =	vadd.s32 v13, v11;
	[tilespmem:v14+s16+$0x0] =	vst.idx.msk $0xffff, v15  }
0x75: {  	s25 =	sadd.s32 $0x2, s25;
	v5 =	vld [tilespmem:s22+$0xFFFFFFC0];
	v3 =	vor.u32 v3, v4;
	v4 =	vand.u32 $0x4, v19;
	v14 =	vbroadcast v8, $0x0;
	[tilespmem:v16+s16+$0x0] =	vst.idx.msk $0xffff, v20  }
0x76: {  	v15 =	vmov s25;
	v8 =	vor.u32 v7, v11;
	v11 =	vand.u32 $0x5, v17;
	v13 =	vld [tilespmem:s26+$0x30];
	[tilespmem:v10+s16+$0x0] =	vst.idx.msk $0xffff, v12  }
0x77: {  	v17 =	vand.u32 $0xFFFFFFF8, v15;
	v12 =	vld [tilespmem:s22+$0x20];
	v16 =	vand.u32 $0x6, v15;
	[tilespmem:v18+s16+$0x0] =	vst.idx.msk $0xffff, v9;
	v18 =	vand.u32 $0x7, v21  }
0x78: {  	v21 =	vld [tilespmem:s22+$0x0];
	v25 =	vadd.s32 v0, v14;
	v10 =	vadd.s32 v1, v14;
	v14 =	vand.u32 $0x78, v19  }
0x79: {  	v7 =	vld [tilespmem:s26+$0x10];
	v26 =	vadd.s32 v22, v25;
	v24 =	vadd.s32 v14, v25;
	v9 =	vadd.s32 v23, v25  }
0x7a: {  	v19 =	vld [tilespmem:s26+$0xFFFFFFD0];
	v27 =	vadd.s32 v17, v25;
	v23 =	vadd.s32 v23, v10;
	v25 =	vadd.s32 v22, v10  }
0x7b: {  	s23 =	simm.s32 $0xA540;
	s25 =	simm.s32 $0x8;
	v20 =	vor.u32 v18, v9;
	v9 =	vld [tilespmem:s26+$0xFFFFFFF0];
	v15 =	vor.u32 v11, v26;
	v22 =	vor.u32 v16, v27  }
.LBB2_13:
0x7c: {  	s26 =	sshrl.u32 s25, $0x7  }
0x7d: {  	v26 =	vld [tilespmem:s23+$0xFFFFFFC0];
	s28 =	sand.u32 $0x7F, s25;
	v24 =	vor.u32 v4, v24;
	v25 =	vor.u32 v11, v25;
	v11 =	vadd.s32 v17, v10;
	s29 =	smov.u32 s25;
	s24 =	sadd.s32 $0x4, s25  }
0x7e: {  	p0 =	slt.u32 s25, $0x1FC;
	v17 =	vmov s26;
	v27 =	vmov s29;
	s26 =	sadd.s32 $0x1, s28;
	s29 =	sadd.s32 $0x2, s28;
	v28 =	vld [tilespmem:s22+$0xFFFFFFE0];
	v29 =	vor.u32 v16, v11;
	[tilespmem:v6+s16+$0x0] =	vst.idx.msk $0xffff, v13  }
0x7f: {  	s25 =	sadd.s32 $0x3, s28;
	v6 =	vor.u32 v18, v23;
	v11 =	vmul.u32 $0x440, v17;
	v13 =	vmov s26;
	[tilespmem:v8+s16+$0x0] =	vst.idx.msk $0xffff, v19  }
0x80: {  	v16 =	vand.u32 $0x4, v27;
	v18 =	vmov s25;
	v8 =	vadd.s32 v14, v10;
	[tilespmem:v20+s16+$0x0] =	vst.idx.msk $0xffff, v12  }
0x81: {  	v19 =	vmov s29;
	v8 =	vor.u32 v4, v8;
	v4 =	vmovc v16;
	v10 =	vbroadcast v11, $0x0;
	[tilespmem:v22+s16+$0x0] =	vst.idx.msk $0xffff, v21  }
0x82: {  	v21 =	vand.u32 $0xFFFFFFF8, v13;
	v11 =	vand.u32 $0x5, v13;
	v22 =	vand.u32 $0xFFFFFFF8, v18;
	[tilespmem:v24+s16+$0x0] =	vst.idx.msk $0xffff, v5;
	v13 =	vld [tilespmem:s22+$0x30];
	v5 =	vmovc v26  }
.Ltmp5:
0x83: {  	v17 =	vand.u32 $0xFFFFFFF8, v19;
	v20 =	vadd.s32 v0, v10;
	v10 =	vadd.s32 v1, v10;
	v12 =	vld [tilespmem:s23+$0x20];
	[tilespmem:v15+s16+$0x0] =	vst.idx.msk $0xffff, v28;
	(pc) =	sbr.rel @p0 .LBB2_13-.Ltmp5, $4  }
0x84: {  	v14 =	vand.u32 $0x78, v27;
	v16 =	vand.u32 $0x6, v19;
	v15 =	vadd.s32 v21, v20;
	[tilespmem:v3+s16+$0x0] =	vst.idx.msk $0xffff, v7;
	v7 =	vld [tilespmem:s22+$0x10];
	v3 =	vmovc v29  }
0x85: {  	v18 =	vand.u32 $0x7, v18;
	v24 =	vadd.s32 v14, v20;
	v23 =	vadd.s32 v22, v20;
	v19 =	vld [tilespmem:s22+$0xFFFFFFD0];
	[tilespmem:v2+s16+$0x0] =	vst.idx.msk $0xffff, v9  }
0x86: {  	v26 =	vadd.s32 v17, v20;
	v20 =	vor.u32 v18, v23;
	v23 =	vadd.s32 v22, v10;
	v2 =	vmovc v25;
	v9 =	vld [tilespmem:s22+$0xFFFFFFF0];
	s22 =	smov.u32 s23  }
0x87: {  	s25 =	smov.u32 s24;
	v15 =	vor.u32 v11, v15;
	v25 =	vadd.s32 v21, v10;
	v22 =	vor.u32 v16, v26;
	s23 =	sadd.s32 $0x80, s23;
	v21 =	vld [tilespmem:s22+$0x0]  }
0x88: {  	_ =	sdelay $0x2  }
0x89: {  	v24 =	vor.u32 v4, v24  }
0x8a: {  	[tilespmem:v6+s16+$0x0] =	vst.idx.msk $0xffff, v13;
	v56 =	vld [tilespmem:s22+$0xFFFFFFE0]  }
0x8b: {  	[tilespmem:v20+s16+$0x0] =	vst.idx.msk $0xffff, v12  }
0x8c: {  	[tilespmem:v3+s16+$0x0] =	vst.idx.msk $0xffff, v7  }
0x8d: {  	v57 =	vor.u32 v18, v23;
	v60 =	vadd.s32 v17, v10;
	v59 =	vld [tilespmem:s22+$0x30];
	[tilespmem:v22+s16+$0x0] =	vst.idx.msk $0xffff, v21  }
0x8e: {  	v58 =	vadd.s32 v14, v10;
	v10 =	vor.u32 v16, v60;
	[tilespmem:v24+s16+$0x0] =	vst.idx.msk $0xffff, v5;
	v63 =	vld [tilespmem:s22+$0x10]  }
0x8f: {  	v61 =	vor.u32 v4, v58;
	[tilespmem:v15+s16+$0x0] =	vst.idx.msk $0xffff, v56;
	v62 =	vld [tilespmem:s22+$0xFFFFFFD0]  }
0x90: {  	v11 =	vor.u32 v11, v25;
	[tilespmem:v8+s16+$0x0] =	vst.idx.msk $0xffff, v19;
	v3 =	vld [tilespmem:s22+$0xFFFFFFF0]  }
0x91: {  	s21 =	sshll.u32 s21, $0x13;
	[tilespmem:v2+s16+$0x0] =	vst.idx.msk $0xffff, v9  }
0x92: {  	s21 =	sor.u32 s6, s21;
	[tilespmem:v57+s16+$0x0] =	vst.idx.msk $0xffff, v59  }
0x93: {  	s21 =	sshrl.u32 s21, $0x3;
	[tilespmem:v10+s16+$0x0] =	vst.idx.msk $0xffff, v63  }
0x94: {  	s23 =	simm.s32 $0x10;
	s21 =	sadd.s32 s1, s21;
	[tilespmem:v61+s16+$0x0] =	vst.idx.msk $0xffff, v62  }
0x95: {  	s24 =	simm.s32 $0x12888;
	s25 =	sadd.s32 $0x0, s21;
	s22 =	simm.s32 $0x12800;
	[tilespmem:v11+s16+$0x0] =	vst.idx.msk $0xffff, v3  }
.LBB2_15:
0x96: {  	[hbm4b:s25+s3] =	stream.linear.scatter [tilespmem:s22], [sflag:$0x4], $0x80, $0x38;
	[tilespmem:$0x16C00] =	vst v63  }
0x97: {  	s25 =	smov.u32 s23;
	s22 =	smov.u32 s24;
	p0 =	sne.s32 s23, $0x1F0  }
.Ltmp6:
0x98: {  	s23 =	sadd.s32 $0x10, s23;
	(pc) =	sbr.rel @p0 .LBB2_15-.Ltmp6, $2  }
0x99: {  	_ =	sdelay $0x2  }
0x9a: {  	s24 =	sadd.s32 $0x88, s24;
	s25 =	sadd.s32 s25, s21  }
0x9b: {  	[hbm4b:s25+s3] =	stream.linear.scatter [tilespmem:s22], [sflag:$0x4], $0x80, $0x38;
	[tilespmem:$0x16C00] =	vst v63  }
0x9c: {  	s22 =	sadd.s32 $0x4000, s21;
	s23 =	simm.s32 $0x13900  }
0x9d: {  	s24 =	simm.s32 $0x10;
	s25 =	simm.s32 $0x13988;
	s26 =	sadd.s32 $0x0, s22  }
.LBB2_17:
0x9e: {  	[hbm4b:s26+s3] =	stream.linear.scatter [tilespmem:s23], [sflag:$0x4], $0x80, $0x38;
	[tilespmem:$0x16C00] =	vst v63  }
0x9f: {  	s26 =	smov.u32 s24;
	s23 =	smov.u32 s25;
	p0 =	sne.s32 s24, $0x1F0  }
.Ltmp7:
0xa0: {  	s24 =	sadd.s32 $0x10, s24;
	(pc) =	sbr.rel @p0 .LBB2_17-.Ltmp7, $2  }
0xa1: {  	_ =	sdelay $0x2  }
0xa2: {  	s25 =	sadd.s32 $0x88, s25;
	s26 =	sadd.s32 s26, s22  }
0xa3: {  	[hbm4b:s26+s3] =	stream.linear.scatter [tilespmem:s23], [sflag:$0x4], $0x80, $0x38;
	[tilespmem:$0x16C00] =	vst v63  }
0xa4: {  	s22 =	sadd.s32 $0x8000, s21;
	s23 =	simm.s32 $0x14A00  }
0xa5: {  	s24 =	simm.s32 $0x10;
	s25 =	simm.s32 $0x14A88;
	s26 =	sadd.s32 $0x0, s22  }
.LBB2_19:
0xa6: {  	[hbm4b:s26+s3] =	stream.linear.scatter [tilespmem:s23], [sflag:$0x4], $0x80, $0x38;
	[tilespmem:$0x16C00] =	vst v63  }
0xa7: {  	s26 =	smov.u32 s24;
	s23 =	smov.u32 s25;
	p0 =	sne.s32 s24, $0x1F0  }
.Ltmp8:
0xa8: {  	s24 =	sadd.s32 $0x10, s24;
	(pc) =	sbr.rel @p0 .LBB2_19-.Ltmp8, $2  }
0xa9: {  	_ =	sdelay $0x2  }
0xaa: {  	s25 =	sadd.s32 $0x88, s25;
	s26 =	sadd.s32 s26, s22  }
0xab: {  	[hbm4b:s26+s3] =	stream.linear.scatter [tilespmem:s23], [sflag:$0x4], $0x80, $0x38;
	[tilespmem:$0x16C00] =	vst v63  }
0xac: {  	s21 =	sadd.s32 $0xC000, s21;
	s22 =	simm.s32 $0x15B00  }
0xad: {  	s23 =	simm.s32 $0x10;
	s24 =	simm.s32 $0x15B88;
	s25 =	sadd.s32 $0x0, s21  }
.LBB2_21:
0xae: {  	[hbm4b:s25+s3] =	stream.linear.scatter [tilespmem:s22], [sflag:$0x4], $0x80, $0x38;
	[tilespmem:$0x16C00] =	vst v63  }
0xaf: {  	s25 =	smov.u32 s23;
	s22 =	smov.u32 s24;
	p0 =	sne.s32 s23, $0x1F0  }
.Ltmp9:
0xb0: {  	s23 =	sadd.s32 $0x10, s23;
	(pc) =	sbr.rel @p0 .LBB2_21-.Ltmp9, $2  }
0xb1: {  	_ =	sdelay $0x2  }
0xb2: {  	s24 =	sadd.s32 $0x88, s24;
	s25 =	sadd.s32 s25, s21  }
0xb3: {  	s20 =	sadd.s32 $0x1, s20  }
0xb4: {  	p0 =	sne.s32 s20, $0x19  }
.Ltmp10:
0xb5: {  	_ = 	snop;
	(pc) =	sbr.rel @p0 .LBB2_2-.Ltmp10, $2  }
0xb6: {  	_ =	sdelay $0x2  }
0xb7: {  	[hbm4b:s25+s3] =	stream.linear.scatter [tilespmem:s22], [sflag:$0x4], $0x80, $0x38;
	[tilespmem:$0x16C00] =	vst v63  }
0xb8: {  	s19 =	sadd.s32 $0x1, s19  }
0xb9: {  	_ =	swait.ge [sflag:s17], $0x4000;
	p0 =	sne.s32 s19, s7  }
.Ltmp11:
0xba: {  	[sflag:s17] =	ssyncset.done $0x0;
	(pc) =	sbr.rel @p0 .LBB2_1-.Ltmp11, $4  }
0xbb: {  	[sflag:s17] =	ssyncadd.s32 $0xFFFFC000  }
0xbc: {  	_ =	swait.ge [sflag:s18], $0x4000  }
0xbd: {  	[sflag:s18] =	ssyncset.done $0x0  }
0xbe: {  	[sflag:s18] =	ssyncadd.s32 $0xFFFFC000  }
0xbf: {  	_ =	sfence.sel $0x180000  }
0xc0: {  	[bflag:$0x0] =	sbarrier.arrive $0xFFFF  }
0xc1: {  	p0 =	sne.s32 s2, $0x0;
	_ =	strace $0x90000047  }
0xc2: {  	s0 =	sadd.s32 @!p0 $0x100000, s0;
	[bflag:$0x2] =	sbarrier.arrive $0xFFFF  }
0xc3: {  	[sflag:s0] =	ssyncadd.tile.s32 @!p0 $0x1;
	_ =	shalt  }
.Lfunc_end2:
_tile_overlayer_lowered:
.L_overlay_start_2:
0xc4: {  	(tag) =	ssettag $0x2  }
0xc5: {  	s0 =	rddreg [dreg:$0x0];
	s2 =	stileid.u32  }
0xc6: {  	s1 =	rddreg [dreg:$0x1];
	p0 =	sne.s32 s2, $0x0  }
0xc7: {  	s3 =	rddreg [dreg:$0x2];
	[bflag:$0x3] =	sbarrier.arrive $0xFFFF;
	s2 =	simm.s32 @!p0 $0x1C05  }
0xc8: {  	[timem:s3], [sflag:s2] =	dma.local @!p0 [hbm:s0], s1  }
0xc9: {  	s0 =	simm.s32 @!p0 $0x5  }
0xca: {  	_ =	swait.ge @!p0 [sflag:s0], s1  }
0xcb: {  	s1 =	ssub.s32 @!p0 $0x0, s1;
	[sflag:s0] =	ssyncset.done @!p0 $0x0  }
0xcc: {  	[sflag:s0] =	ssyncadd.s32 @!p0 s1  }
0xcd: {  	[bflag:$0x3] =	sbarrier.arrive $0xFFFF  }
0xce: {  	_ =	shalt  }

</sc_bundles>
